<compile_context>
chip_gen: v7x
topology: tpu7x:2x2x1
jax: 0.10.2.dev20260603
libtpu: 0.0.44.dev20260713+nightly
codegen_flags: <defaults>
</compile_context>

<pallas_src>
import functools
import jax
import jax.numpy as jnp
from jax import lax
from jax.experimental import pallas as pl
from jax.experimental.pallas import tpu as pltpu
from jax.experimental.pallas import tpu_sc as plsc

B = 1024
V = 1000
D = 64
VP = 1024
L = 16
NC, NS = 2, 16
NW = NC * NS
BPW = B // NW

_sc_mesh = plsc.VectorSubcoreMesh(core_axis_name="c", subcore_axis_name="s",
                                  num_cores=NC, num_subcores=NS)


def _tc_scores_body(cidx_ref, ec_ref, eo_ref, es_ref):
    col = lax.broadcasted_iota(jnp.int32, (B, VP), 1)
    onehot = jnp.where(col == cidx_ref[...], 1.0, 0.0)
    c = lax.dot_general(onehot, ec_ref[...], (((1,), (0,)), ((), ())),
                        preferred_element_type=jnp.float32)
    s = lax.dot_general(c, eo_ref[...], (((1,), (1,)), ((), ())),
                        preferred_element_type=jnp.float32)
    es_ref[...] = jnp.where(col < V, jnp.exp(s), 0.0)


_tc_scores = pl.pallas_call(
    _tc_scores_body,
    out_shape=jax.ShapeDtypeStruct((B, VP), jnp.float32),
)


@functools.partial(
    pl.kernel,
    out_type=(jax.ShapeDtypeStruct((B, L), jnp.float32),
              jax.ShapeDtypeStruct((B,), jnp.float32)),
    mesh=_sc_mesh,
    scratch_types=[
        pltpu.VMEM((BPW, VP), jnp.float32),
        pltpu.VMEM((BPW, V), jnp.int32),
        pltpu.VMEM((BPW,), jnp.int32),
        pltpu.VMEM((BPW, L), jnp.float32),
        pltpu.VMEM((BPW,), jnp.float32),
    ],
    compiler_params=pltpu.CompilerParams(needs_layout_passes=False),
)
def _sc_gather_sum(es_hbm, idx_hbm, oidx_hbm, out_hbm, top_hbm,
                   es_v, idx_v, oidx_v, acc_v, top_v):
    wid = lax.axis_index("s") * NC + lax.axis_index("c")
    base = wid * BPW
    pltpu.sync_copy(oidx_hbm.at[pl.ds(base, BPW)], oidx_v)
    pltpu.sync_copy(es_hbm.at[pl.ds(base, BPW)], es_v)
    pltpu.sync_copy(idx_hbm.at[pl.ds(base, BPW)], idx_v)

    nfull = V // L
    ntail = V - nfull * L
    lane = lax.iota(jnp.int32, L)

    def one_row_acc(rvec):
        acc = jnp.zeros((L,), jnp.float32)
        for k in range(nfull):
            iv = plsc.load_gather(idx_v, [rvec, lane + k * L])
            acc = acc + plsc.load_gather(es_v, [rvec, iv])
        cv = jnp.minimum(lane + nfull * L, V - 1)
        iv = plsc.load_gather(idx_v, [rvec, cv])
        g = plsc.load_gather(es_v, [rvec, iv])
        return acc + jnp.where(lane < ntail, g, 0.0)

    def row_pair(i, carry):
        r0 = i * 2
        rv0 = jnp.full((L,), r0, jnp.int32)
        rv1 = jnp.full((L,), r0 + 1, jnp.int32)
        plsc.store_scatter(acc_v, [rv0, lane], one_row_acc(rv0))
        plsc.store_scatter(acc_v, [rv1, lane], one_row_acc(rv1))
        return carry

    lax.fori_loop(0, BPW // 2, row_pair, 0)

    for c16 in range(BPW // L):
        rv = lane + c16 * L
        ov = plsc.load_gather(oidx_v, [rv])
        plsc.store_scatter(top_v, [rv], plsc.load_gather(es_v, [rv, ov]))

    pltpu.sync_copy(acc_v, out_hbm.at[pl.ds(base, BPW)])
    pltpu.sync_copy(top_v, top_hbm.at[pl.ds(base, BPW)])


def _tc_loss_body(top_ref, part_ref, out_ref):
    lsum = jnp.sum(part_ref[...], axis=1)
    val = jnp.mean(jnp.log(top_ref[...])) - jnp.mean(jnp.log(lsum))
    out_ref[...] = (-val).reshape(1, 1)


_tc_loss = pl.pallas_call(
    _tc_loss_body,
    out_shape=jax.ShapeDtypeStruct((1, 1), jnp.float32),
)


def kernel(center, outside, all_vocabs, emb_center, emb_outside):
    cidx = center if center.dtype == jnp.int32 else center.astype(jnp.int32)
    oidx = outside.reshape(B)
    if oidx.dtype != jnp.int32:
        oidx = oidx.astype(jnp.int32)
    av = all_vocabs if all_vocabs.dtype == jnp.int32 else (
        all_vocabs.astype(jnp.int32))
    ec_pad = jnp.pad(emb_center, ((0, VP - V), (0, 0)))
    eo_pad = jnp.pad(emb_outside, ((0, VP - V), (0, 0)))

    es = _tc_scores(cidx, ec_pad, eo_pad)
    part, top = _sc_gather_sum(es, av, oidx)
    loss = _tc_loss(top.reshape(8, 128), part)
    return loss.reshape(())

# --- scband reference (transcript-rebuilt; emitter-appended) ---
"""Pipeline reference for scband-skipgram-47502338294142 (READ-ONLY COPY).

The authoritative reference and input builder live on the scoring server;
editing this copy changes nothing except your own understanding.
"""

import jax, jax.numpy as jnp
import numpy as np

B = 1024
V = 1000
D = 64

def setup_inputs(seed: int = 0) -> dict:
    key = jax.random.key(seed)
    k1, k2, k3, k4, k5 = jax.random.split(key, 5)
    center = jax.random.randint(k1, (B, 1), 0, V)
    outside = jax.random.randint(k2, (B, 1), 0, V)
    all_vocabs = jax.random.randint(k3, (B, V), 0, V)
    emb_center = jax.random.normal(k4, (V, D), dtype=jnp.float32)
    emb_outside = jax.random.normal(k5, (V, D), dtype=jnp.float32)
    return {"center": center, "outside": outside, "all_vocabs": all_vocabs,
            "emb_center": emb_center, "emb_outside": emb_outside}

def reference(center, outside, all_vocabs, emb_center, emb_outside):
    # embedding lookups (gathers)
    c = jnp.take(emb_center, center, axis=0)        # [B, 1, D]
    o = jnp.take(emb_outside, outside, axis=0)      # [B, 1, D]
    av = jnp.take(emb_outside, all_vocabs, axis=0)  # [B, V, D]
    # top term: exp(outside . center) -> [B]
    top_term = jnp.exp(jnp.sum(o * c, axis=-1).squeeze(1))
    # lower term: exp(all_vocab_embed . center) summed over vocab -> [B]
    lower = jnp.einsum('bvd,bd->bv', av, c.squeeze(1))  # [B, V]
    lower_term_sum = jnp.sum(jnp.exp(lower), axis=1)    # [B]
    loss = -jnp.mean(jnp.log(top_term / lower_term_sum))
    return loss

if __name__ == "__main__":
    import jax
    _d = setup_inputs()
    print(jax.jit(kernel)(*tuple(_d.values())))

</pallas_src>

<mosaic_0001>
#map = affine_map<(d0, d1) -> (0, 0)>
#map1 = affine_map<(d0, d1) -> (0)>
module attributes {stable_mosaic.version = 14 : i64} {
  func.func @_sc_gather_sum(%arg0: i32, %arg1: i32, %arg2: memref<1024x1024xf32, #tpu.memory_space<hbm>>, %arg3: memref<1024x1000xi32, #tpu.memory_space<hbm>>, %arg4: memref<1024xi32, #tpu.memory_space<hbm>>, %arg5: memref<1024x16xf32, #tpu.memory_space<hbm>>, %arg6: memref<1024xf32, #tpu.memory_space<hbm>>, %arg7: memref<32x1024xf32, #tpu.memory_space<vmem>>, %arg8: memref<32x1000xi32, #tpu.memory_space<vmem>>, %arg9: memref<32xi32, #tpu.memory_space<vmem>>, %arg10: memref<32x16xf32, #tpu.memory_space<vmem>>, %arg11: memref<32xf32, #tpu.memory_space<vmem>>) attributes {dimension_semantics = [#tpu.dimension_semantics<core_parallel>, #tpu.dimension_semantics<subcore_parallel>], iteration_bounds = array<i64: 2, 16>, scalar_prefetch = 0 : i64, scratch_operands = 5 : i64, tpu.core_type = #tpu.core_type<sc_vector_subcore>, window_params = [{transform_indices = #map}, {transform_indices = #map}, {transform_indices = #map1}, {transform_indices = #map}, {transform_indices = #map1}]} {
    %mul3A = arith.constant 2 : i32
    %mul3A_0 = arith.muli %arg1, %mul3A : i32
    %add3A = arith.addi %mul3A_0, %arg0 : i32
    %mul3A_1 = arith.constant 32 : i32
    %mul3A_2 = arith.muli %add3A, %mul3A_1 : i32
    "tpu.region"() ({
      %run_scoped3A = tpu.sem_alloc : memref<!tpu.dma_semaphore, #tpu.memory_space<semaphore_mem>>
      %dma_start3A = tpu.memref_slice %arg4[%mul3A_2] : memref<1024xi32, #tpu.memory_space<hbm>> -> memref<32xi32, #tpu.memory_space<hbm>>
      %dma_start3A_17 = tpu.memref_slice %arg4[%mul3A_2] : memref<1024xi32, #tpu.memory_space<hbm>> -> memref<32xi32, #tpu.memory_space<hbm>>
      tpu.enqueue_dma source(%dma_start3A_17 : memref<32xi32, #tpu.memory_space<hbm>>) target(%arg9 : memref<32xi32, #tpu.memory_space<vmem>>) target_semaphore(%run_scoped3A : memref<!tpu.dma_semaphore, #tpu.memory_space<semaphore_mem>>)
      %dma_wait3A = tpu.memref_slice %arg4[%mul3A_2] : memref<1024xi32, #tpu.memory_space<hbm>> -> memref<32xi32, #tpu.memory_space<hbm>>
      %dma_wait3A_18 = tpu.memref_slice %arg4[%mul3A_2] : memref<1024xi32, #tpu.memory_space<hbm>> -> memref<32xi32, #tpu.memory_space<hbm>>
      tpu.wait_dma2 semaphore(%run_scoped3A : memref<!tpu.dma_semaphore, #tpu.memory_space<semaphore_mem>>) src(%dma_wait3A_18 : memref<32xi32, #tpu.memory_space<hbm>>) dst(%arg9 : memref<32xi32, #tpu.memory_space<vmem>>)
      tpu.yield
    }) : () -> ()
    "tpu.region"() ({
      %run_scoped3A = tpu.sem_alloc : memref<!tpu.dma_semaphore, #tpu.memory_space<semaphore_mem>>
      %dma_start3A = arith.constant 0 : i32
      %dma_start3A_17 = tpu.memref_slice %arg2[%mul3A_2, %dma_start3A] : memref<1024x1024xf32, #tpu.memory_space<hbm>> -> memref<32x1024xf32, #tpu.memory_space<hbm>>
      %dma_start3A_18 = arith.constant 0 : i32
      %dma_start3A_19 = tpu.memref_slice %arg2[%mul3A_2, %dma_start3A_18] : memref<1024x1024xf32, #tpu.memory_space<hbm>> -> memref<32x1024xf32, #tpu.memory_space<hbm>>
      tpu.enqueue_dma source(%dma_start3A_19 : memref<32x1024xf32, #tpu.memory_space<hbm>>) target(%arg7 : memref<32x1024xf32, #tpu.memory_space<vmem>>) target_semaphore(%run_scoped3A : memref<!tpu.dma_semaphore, #tpu.memory_space<semaphore_mem>>)
      %dma_wait3A = arith.constant 0 : i32
      %dma_wait3A_20 = tpu.memref_slice %arg2[%mul3A_2, %dma_wait3A] : memref<1024x1024xf32, #tpu.memory_space<hbm>> -> memref<32x1024xf32, #tpu.memory_space<hbm>>
      %dma_wait3A_21 = arith.constant 0 : i32
      %dma_wait3A_22 = tpu.memref_slice %arg2[%mul3A_2, %dma_wait3A_21] : memref<1024x1024xf32, #tpu.memory_space<hbm>> -> memref<32x1024xf32, #tpu.memory_space<hbm>>
      tpu.wait_dma2 semaphore(%run_scoped3A : memref<!tpu.dma_semaphore, #tpu.memory_space<semaphore_mem>>) src(%dma_wait3A_22 : memref<32x1024xf32, #tpu.memory_space<hbm>>) dst(%arg7 : memref<32x1024xf32, #tpu.memory_space<vmem>>)
      tpu.yield
    }) : () -> ()
    "tpu.region"() ({
      %run_scoped3A = tpu.sem_alloc : memref<!tpu.dma_semaphore, #tpu.memory_space<semaphore_mem>>
      %dma_start3A = arith.constant 0 : i32
      %dma_start3A_17 = tpu.memref_slice %arg3[%mul3A_2, %dma_start3A] : memref<1024x1000xi32, #tpu.memory_space<hbm>> -> memref<32x1000xi32, #tpu.memory_space<hbm>>
      %dma_start3A_18 = arith.constant 0 : i32
      %dma_start3A_19 = tpu.memref_slice %arg3[%mul3A_2, %dma_start3A_18] : memref<1024x1000xi32, #tpu.memory_space<hbm>> -> memref<32x1000xi32, #tpu.memory_space<hbm>>
      tpu.enqueue_dma source(%dma_start3A_19 : memref<32x1000xi32, #tpu.memory_space<hbm>>) target(%arg8 : memref<32x1000xi32, #tpu.memory_space<vmem>>) target_semaphore(%run_scoped3A : memref<!tpu.dma_semaphore, #tpu.memory_space<semaphore_mem>>)
      %dma_wait3A = arith.constant 0 : i32
      %dma_wait3A_20 = tpu.memref_slice %arg3[%mul3A_2, %dma_wait3A] : memref<1024x1000xi32, #tpu.memory_space<hbm>> -> memref<32x1000xi32, #tpu.memory_space<hbm>>
      %dma_wait3A_21 = arith.constant 0 : i32
      %dma_wait3A_22 = tpu.memref_slice %arg3[%mul3A_2, %dma_wait3A_21] : memref<1024x1000xi32, #tpu.memory_space<hbm>> -> memref<32x1000xi32, #tpu.memory_space<hbm>>
      tpu.wait_dma2 semaphore(%run_scoped3A : memref<!tpu.dma_semaphore, #tpu.memory_space<semaphore_mem>>) src(%dma_wait3A_22 : memref<32x1000xi32, #tpu.memory_space<hbm>>) dst(%arg8 : memref<32x1000xi32, #tpu.memory_space<vmem>>)
      tpu.yield
    }) : () -> ()
    %iota3A = tpu.iota {dimensions = array<i32: 0>} : vector<16xi32>
    %scan3A = arith.constant 0 : i32
    %scan3A_3 = arith.constant 0 : i32
    %scan3A_4 = arith.constant 16 : i32
    %scan3A_5 = arith.addi %scan3A_3, %scan3A_4 : i32
    %scan3A_6 = arith.constant 1 : i32
    scf.for %scan3A_17 = %scan3A_3 to %scan3A_5 step %scan3A_6  : i32 {
      %mul3A_18 = arith.constant 2 : i32
      %mul3A_19 = arith.muli %scan3A_17, %mul3A_18 : i32
      %broadcast_in_dim3A = vector.broadcast %mul3A_19 : i32 to vector<16xi32>
      %add3A_20 = arith.constant 1 : i32
      %add3A_21 = arith.addi %mul3A_19, %add3A_20 : i32
      %broadcast_in_dim3A_22 = vector.broadcast %add3A_21 : i32 to vector<16xi32>
      %broadcast_in_dim3A_23 = arith.constant 0.000000e+00 : f32
      %broadcast_in_dim3A_24 = vector.broadcast %broadcast_in_dim3A_23 : f32 to vector<16xf32>
      %add3A_25 = arith.constant 0 : i32
      %add3A_26 = vector.broadcast %add3A_25 : i32 to vector<16xi32>
      %add3A_27 = arith.addi %iota3A, %add3A_26 : vector<16xi32>
      %gather3A_28 = tpu.vector_load_idx %arg8[%broadcast_in_dim3A, %add3A_27] : memref<32x1000xi32, #tpu.memory_space<vmem>>[vector<16xi32>, vector<16xi32>], vector<16xi32>,
      %gather3A_29 = tpu.vector_load_idx %arg7[%broadcast_in_dim3A, %gather3A_28] : memref<32x1024xf32, #tpu.memory_space<vmem>>[vector<16xi32>, vector<16xi32>], vector<16xf32>,
      %add3A_30 = arith.addf %broadcast_in_dim3A_24, %gather3A_29 : vector<16xf32>
      %add3A_31 = arith.constant 16 : i32
      %add3A_32 = vector.broadcast %add3A_31 : i32 to vector<16xi32>
      %add3A_33 = arith.addi %iota3A, %add3A_32 : vector<16xi32>
      %gather3A_34 = tpu.vector_load_idx %arg8[%broadcast_in_dim3A, %add3A_33] : memref<32x1000xi32, #tpu.memory_space<vmem>>[vector<16xi32>, vector<16xi32>], vector<16xi32>,
      %gather3A_35 = tpu.vector_load_idx %arg7[%broadcast_in_dim3A, %gather3A_34] : memref<32x1024xf32, #tpu.memory_space<vmem>>[vector<16xi32>, vector<16xi32>], vector<16xf32>,
      %add3A_36 = arith.addf %add3A_30, %gather3A_35 : vector<16xf32>
      %add3A_37 = arith.constant 32 : i32
      %add3A_38 = vector.broadcast %add3A_37 : i32 to vector<16xi32>
      %add3A_39 = arith.addi %iota3A, %add3A_38 : vector<16xi32>
      %gather3A_40 = tpu.vector_load_idx %arg8[%broadcast_in_dim3A, %add3A_39] : memref<32x1000xi32, #tpu.memory_space<vmem>>[vector<16xi32>, vector<16xi32>], vector<16xi32>,
      %gather3A_41 = tpu.vector_load_idx %arg7[%broadcast_in_dim3A, %gather3A_40] : memref<32x1024xf32, #tpu.memory_space<vmem>>[vector<16xi32>, vector<16xi32>], vector<16xf32>,
      %add3A_42 = arith.addf %add3A_36, %gather3A_41 : vector<16xf32>
      %add3A_43 = arith.constant 48 : i32
      %add3A_44 = vector.broadcast %add3A_43 : i32 to vector<16xi32>
      %add3A_45 = arith.addi %iota3A, %add3A_44 : vector<16xi32>
      %gather3A_46 = tpu.vector_load_idx %arg8[%broadcast_in_dim3A, %add3A_45] : memref<32x1000xi32, #tpu.memory_space<vmem>>[vector<16xi32>, vector<16xi32>], vector<16xi32>,
      %gather3A_47 = tpu.vector_load_idx %arg7[%broadcast_in_dim3A, %gather3A_46] : memref<32x1024xf32, #tpu.memory_space<vmem>>[vector<16xi32>, vector<16xi32>], vector<16xf32>,
      %add3A_48 = arith.addf %add3A_42, %gather3A_47 : vector<16xf32>
      %add3A_49 = arith.constant 64 : i32
      %add3A_50 = vector.broadcast %add3A_49 : i32 to vector<16xi32>
      %add3A_51 = arith.addi %iota3A, %add3A_50 : vector<16xi32>
      %gather3A_52 = tpu.vector_load_idx %arg8[%broadcast_in_dim3A, %add3A_51] : memref<32x1000xi32, #tpu.memory_space<vmem>>[vector<16xi32>, vector<16xi32>], vector<16xi32>,
      %gather3A_53 = tpu.vector_load_idx %arg7[%broadcast_in_dim3A, %gather3A_52] : memref<32x1024xf32, #tpu.memory_space<vmem>>[vector<16xi32>, vector<16xi32>], vector<16xf32>,
      %add3A_54 = arith.addf %add3A_48, %gather3A_53 : vector<16xf32>
      %add3A_55 = arith.constant 80 : i32
      %add3A_56 = vector.broadcast %add3A_55 : i32 to vector<16xi32>
      %add3A_57 = arith.addi %iota3A, %add3A_56 : vector<16xi32>
      %gather3A_58 = tpu.vector_load_idx %arg8[%broadcast_in_dim3A, %add3A_57] : memref<32x1000xi32, #tpu.memory_space<vmem>>[vector<16xi32>, vector<16xi32>], vector<16xi32>,
      %gather3A_59 = tpu.vector_load_idx %arg7[%broadcast_in_dim3A, %gather3A_58] : memref<32x1024xf32, #tpu.memory_space<vmem>>[vector<16xi32>, vector<16xi32>], vector<16xf32>,
      %add3A_60 = arith.addf %add3A_54, %gather3A_59 : vector<16xf32>
      %add3A_61 = arith.constant 96 : i32
      %add3A_62 = vector.broadcast %add3A_61 : i32 to vector<16xi32>
      %add3A_63 = arith.addi %iota3A, %add3A_62 : vector<16xi32>
      %gather3A_64 = tpu.vector_load_idx %arg8[%broadcast_in_dim3A, %add3A_63] : memref<32x1000xi32, #tpu.memory_space<vmem>>[vector<16xi32>, vector<16xi32>], vector<16xi32>,
      %gather3A_65 = tpu.vector_load_idx %arg7[%broadcast_in_dim3A, %gather3A_64] : memref<32x1024xf32, #tpu.memory_space<vmem>>[vector<16xi32>, vector<16xi32>], vector<16xf32>,
      %add3A_66 = arith.addf %add3A_60, %gather3A_65 : vector<16xf32>
      %add3A_67 = arith.constant 112 : i32
      %add3A_68 = vector.broadcast %add3A_67 : i32 to vector<16xi32>
      %add3A_69 = arith.addi %iota3A, %add3A_68 : vector<16xi32>
      %gather3A_70 = tpu.vector_load_idx %arg8[%broadcast_in_dim3A, %add3A_69] : memref<32x1000xi32, #tpu.memory_space<vmem>>[vector<16xi32>, vector<16xi32>], vector<16xi32>,
      %gather3A_71 = tpu.vector_load_idx %arg7[%broadcast_in_dim3A, %gather3A_70] : memref<32x1024xf32, #tpu.memory_space<vmem>>[vector<16xi32>, vector<16xi32>], vector<16xf32>,
      %add3A_72 = arith.addf %add3A_66, %gather3A_71 : vector<16xf32>
      %add3A_73 = arith.constant 128 : i32
      %add3A_74 = vector.broadcast %add3A_73 : i32 to vector<16xi32>
      %add3A_75 = arith.addi %iota3A, %add3A_74 : vector<16xi32>
      %gather3A_76 = tpu.vector_load_idx %arg8[%broadcast_in_dim3A, %add3A_75] : memref<32x1000xi32, #tpu.memory_space<vmem>>[vector<16xi32>, vector<16xi32>], vector<16xi32>,
      %gather3A_77 = tpu.vector_load_idx %arg7[%broadcast_in_dim3A, %gather3A_76] : memref<32x1024xf32, #tpu.memory_space<vmem>>[vector<16xi32>, vector<16xi32>], vector<16xf32>,
      %add3A_78 = arith.addf %add3A_72, %gather3A_77 : vector<16xf32>
      %add3A_79 = arith.constant 144 : i32
      %add3A_80 = vector.broadcast %add3A_79 : i32 to vector<16xi32>
      %add3A_81 = arith.addi %iota3A, %add3A_80 : vector<16xi32>
      %gather3A_82 = tpu.vector_load_idx %arg8[%broadcast_in_dim3A, %add3A_81] : memref<32x1000xi32, #tpu.memory_space<vmem>>[vector<16xi32>, vector<16xi32>], vector<16xi32>,
      %gather3A_83 = tpu.vector_load_idx %arg7[%broadcast_in_dim3A, %gather3A_82] : memref<32x1024xf32, #tpu.memory_space<vmem>>[vector<16xi32>, vector<16xi32>], vector<16xf32>,
      %add3A_84 = arith.addf %add3A_78, %gather3A_83 : vector<16xf32>
      %add3A_85 = arith.constant 160 : i32
      %add3A_86 = vector.broadcast %add3A_85 : i32 to vector<16xi32>
      %add3A_87 = arith.addi %iota3A, %add3A_86 : vector<16xi32>
      %gather3A_88 = tpu.vector_load_idx %arg8[%broadcast_in_dim3A, %add3A_87] : memref<32x1000xi32, #tpu.memory_space<vmem>>[vector<16xi32>, vector<16xi32>], vector<16xi32>,
      %gather3A_89 = tpu.vector_load_idx %arg7[%broadcast_in_dim3A, %gather3A_88] : memref<32x1024xf32, #tpu.memory_space<vmem>>[vector<16xi32>, vector<16xi32>], vector<16xf32>,
      %add3A_90 = arith.addf %add3A_84, %gather3A_89 : vector<16xf32>
      %add3A_91 = arith.constant 176 : i32
      %add3A_92 = vector.broadcast %add3A_91 : i32 to vector<16xi32>
      %add3A_93 = arith.addi %iota3A, %add3A_92 : vector<16xi32>
      %gather3A_94 = tpu.vector_load_idx %arg8[%broadcast_in_dim3A, %add3A_93] : memref<32x1000xi32, #tpu.memory_space<vmem>>[vector<16xi32>, vector<16xi32>], vector<16xi32>,
      %gather3A_95 = tpu.vector_load_idx %arg7[%broadcast_in_dim3A, %gather3A_94] : memref<32x1024xf32, #tpu.memory_space<vmem>>[vector<16xi32>, vector<16xi32>], vector<16xf32>,
      %add3A_96 = arith.addf %add3A_90, %gather3A_95 : vector<16xf32>
      %add3A_97 = arith.constant 192 : i32
      %add3A_98 = vector.broadcast %add3A_97 : i32 to vector<16xi32>
      %add3A_99 = arith.addi %iota3A, %add3A_98 : vector<16xi32>
      %gather3A_100 = tpu.vector_load_idx %arg8[%broadcast_in_dim3A, %add3A_99] : memref<32x1000xi32, #tpu.memory_space<vmem>>[vector<16xi32>, vector<16xi32>], vector<16xi32>,
      %gather3A_101 = tpu.vector_load_idx %arg7[%broadcast_in_dim3A, %gather3A_100] : memref<32x1024xf32, #tpu.memory_space<vmem>>[vector<16xi32>, vector<16xi32>], vector<16xf32>,
      %add3A_102 = arith.addf %add3A_96, %gather3A_101 : vector<16xf32>
      %add3A_103 = arith.constant 208 : i32
      %add3A_104 = vector.broadcast %add3A_103 : i32 to vector<16xi32>
      %add3A_105 = arith.addi %iota3A, %add3A_104 : vector<16xi32>
      %gather3A_106 = tpu.vector_load_idx %arg8[%broadcast_in_dim3A, %add3A_105] : memref<32x1000xi32, #tpu.memory_space<vmem>>[vector<16xi32>, vector<16xi32>], vector<16xi32>,
      %gather3A_107 = tpu.vector_load_idx %arg7[%broadcast_in_dim3A, %gather3A_106] : memref<32x1024xf32, #tpu.memory_space<vmem>>[vector<16xi32>, vector<16xi32>], vector<16xf32>,
      %add3A_108 = arith.addf %add3A_102, %gather3A_107 : vector<16xf32>
      %add3A_109 = arith.constant 224 : i32
      %add3A_110 = vector.broadcast %add3A_109 : i32 to vector<16xi32>
      %add3A_111 = arith.addi %iota3A, %add3A_110 : vector<16xi32>
      %gather3A_112 = tpu.vector_load_idx %arg8[%broadcast_in_dim3A, %add3A_111] : memref<32x1000xi32, #tpu.memory_space<vmem>>[vector<16xi32>, vector<16xi32>], vector<16xi32>,
      %gather3A_113 = tpu.vector_load_idx %arg7[%broadcast_in_dim3A, %gather3A_112] : memref<32x1024xf32, #tpu.memory_space<vmem>>[vector<16xi32>, vector<16xi32>], vector<16xf32>,
      %add3A_114 = arith.addf %add3A_108, %gather3A_113 : vector<16xf32>
      %add3A_115 = arith.constant 240 : i32
      %add3A_116 = vector.broadcast %add3A_115 : i32 to vector<16xi32>
      %add3A_117 = arith.addi %iota3A, %add3A_116 : vector<16xi32>
      %gather3A_118 = tpu.vector_load_idx %arg8[%broadcast_in_dim3A, %add3A_117] : memref<32x1000xi32, #tpu.memory_space<vmem>>[vector<16xi32>, vector<16xi32>], vector<16xi32>,
      %gather3A_119 = tpu.vector_load_idx %arg7[%broadcast_in_dim3A, %gather3A_118] : memref<32x1024xf32, #tpu.memory_space<vmem>>[vector<16xi32>, vector<16xi32>], vector<16xf32>,
      %add3A_120 = arith.addf %add3A_114, %gather3A_119 : vector<16xf32>
      %add3A_121 = arith.constant 256 : i32
      %add3A_122 = vector.broadcast %add3A_121 : i32 to vector<16xi32>
      %add3A_123 = arith.addi %iota3A, %add3A_122 : vector<16xi32>
      %gather3A_124 = tpu.vector_load_idx %arg8[%broadcast_in_dim3A, %add3A_123] : memref<32x1000xi32, #tpu.memory_space<vmem>>[vector<16xi32>, vector<16xi32>], vector<16xi32>,
      %gather3A_125 = tpu.vector_load_idx %arg7[%broadcast_in_dim3A, %gather3A_124] : memref<32x1024xf32, #tpu.memory_space<vmem>>[vector<16xi32>, vector<16xi32>], vector<16xf32>,
      %add3A_126 = arith.addf %add3A_120, %gather3A_125 : vector<16xf32>
      %add3A_127 = arith.constant 272 : i32
      %add3A_128 = vector.broadcast %add3A_127 : i32 to vector<16xi32>
      %add3A_129 = arith.addi %iota3A, %add3A_128 : vector<16xi32>
      %gather3A_130 = tpu.vector_load_idx %arg8[%broadcast_in_dim3A, %add3A_129] : memref<32x1000xi32, #tpu.memory_space<vmem>>[vector<16xi32>, vector<16xi32>], vector<16xi32>,
      %gather3A_131 = tpu.vector_load_idx %arg7[%broadcast_in_dim3A, %gather3A_130] : memref<32x1024xf32, #tpu.memory_space<vmem>>[vector<16xi32>, vector<16xi32>], vector<16xf32>,
      %add3A_132 = arith.addf %add3A_126, %gather3A_131 : vector<16xf32>
      %add3A_133 = arith.constant 288 : i32
      %add3A_134 = vector.broadcast %add3A_133 : i32 to vector<16xi32>
      %add3A_135 = arith.addi %iota3A, %add3A_134 : vector<16xi32>
      %gather3A_136 = tpu.vector_load_idx %arg8[%broadcast_in_dim3A, %add3A_135] : memref<32x1000xi32, #tpu.memory_space<vmem>>[vector<16xi32>, vector<16xi32>], vector<16xi32>,
      %gather3A_137 = tpu.vector_load_idx %arg7[%broadcast_in_dim3A, %gather3A_136] : memref<32x1024xf32, #tpu.memory_space<vmem>>[vector<16xi32>, vector<16xi32>], vector<16xf32>,
      %add3A_138 = arith.addf %add3A_132, %gather3A_137 : vector<16xf32>
      %add3A_139 = arith.constant 304 : i32
      %add3A_140 = vector.broadcast %add3A_139 : i32 to vector<16xi32>
      %add3A_141 = arith.addi %iota3A, %add3A_140 : vector<16xi32>
      %gather3A_142 = tpu.vector_load_idx %arg8[%broadcast_in_dim3A, %add3A_141] : memref<32x1000xi32, #tpu.memory_space<vmem>>[vector<16xi32>, vector<16xi32>], vector<16xi32>,
      %gather3A_143 = tpu.vector_load_idx %arg7[%broadcast_in_dim3A, %gather3A_142] : memref<32x1024xf32, #tpu.memory_space<vmem>>[vector<16xi32>, vector<16xi32>], vector<16xf32>,
      %add3A_144 = arith.addf %add3A_138, %gather3A_143 : vector<16xf32>
      %add3A_145 = arith.constant 320 : i32
      %add3A_146 = vector.broadcast %add3A_145 : i32 to vector<16xi32>
      %add3A_147 = arith.addi %iota3A, %add3A_146 : vector<16xi32>
      %gather3A_148 = tpu.vector_load_idx %arg8[%broadcast_in_dim3A, %add3A_147] : memref<32x1000xi32, #tpu.memory_space<vmem>>[vector<16xi32>, vector<16xi32>], vector<16xi32>,
      %gather3A_149 = tpu.vector_load_idx %arg7[%broadcast_in_dim3A, %gather3A_148] : memref<32x1024xf32, #tpu.memory_space<vmem>>[vector<16xi32>, vector<16xi32>], vector<16xf32>,
      %add3A_150 = arith.addf %add3A_144, %gather3A_149 : vector<16xf32>
      %add3A_151 = arith.constant 336 : i32
      %add3A_152 = vector.broadcast %add3A_151 : i32 to vector<16xi32>
      %add3A_153 = arith.addi %iota3A, %add3A_152 : vector<16xi32>
      %gather3A_154 = tpu.vector_load_idx %arg8[%broadcast_in_dim3A, %add3A_153] : memref<32x1000xi32, #tpu.memory_space<vmem>>[vector<16xi32>, vector<16xi32>], vector<16xi32>,
      %gather3A_155 = tpu.vector_load_idx %arg7[%broadcast_in_dim3A, %gather3A_154] : memref<32x1024xf32, #tpu.memory_space<vmem>>[vector<16xi32>, vector<16xi32>], vector<16xf32>,
      %add3A_156 = arith.addf %add3A_150, %gather3A_155 : vector<16xf32>
      %add3A_157 = arith.constant 352 : i32
      %add3A_158 = vector.broadcast %add3A_157 : i32 to vector<16xi32>
      %add3A_159 = arith.addi %iota3A, %add3A_158 : vector<16xi32>
      %gather3A_160 = tpu.vector_load_idx %arg8[%broadcast_in_dim3A, %add3A_159] : memref<32x1000xi32, #tpu.memory_space<vmem>>[vector<16xi32>, vector<16xi32>], vector<16xi32>,
      %gather3A_161 = tpu.vector_load_idx %arg7[%broadcast_in_dim3A, %gather3A_160] : memref<32x1024xf32, #tpu.memory_space<vmem>>[vector<16xi32>, vector<16xi32>], vector<16xf32>,
      %add3A_162 = arith.addf %add3A_156, %gather3A_161 : vector<16xf32>
      %add3A_163 = arith.constant 368 : i32
      %add3A_164 = vector.broadcast %add3A_163 : i32 to vector<16xi32>
      %add3A_165 = arith.addi %iota3A, %add3A_164 : vector<16xi32>
      %gather3A_166 = tpu.vector_load_idx %arg8[%broadcast_in_dim3A, %add3A_165] : memref<32x1000xi32, #tpu.memory_space<vmem>>[vector<16xi32>, vector<16xi32>], vector<16xi32>,
      %gather3A_167 = tpu.vector_load_idx %arg7[%broadcast_in_dim3A, %gather3A_166] : memref<32x1024xf32, #tpu.memory_space<vmem>>[vector<16xi32>, vector<16xi32>], vector<16xf32>,
      %add3A_168 = arith.addf %add3A_162, %gather3A_167 : vector<16xf32>
      %add3A_169 = arith.constant 384 : i32
      %add3A_170 = vector.broadcast %add3A_169 : i32 to vector<16xi32>
      %add3A_171 = arith.addi %iota3A, %add3A_170 : vector<16xi32>
      %gather3A_172 = tpu.vector_load_idx %arg8[%broadcast_in_dim3A, %add3A_171] : memref<32x1000xi32, #tpu.memory_space<vmem>>[vector<16xi32>, vector<16xi32>], vector<16xi32>,
      %gather3A_173 = tpu.vector_load_idx %arg7[%broadcast_in_dim3A, %gather3A_172] : memref<32x1024xf32, #tpu.memory_space<vmem>>[vector<16xi32>, vector<16xi32>], vector<16xf32>,
      %add3A_174 = arith.addf %add3A_168, %gather3A_173 : vector<16xf32>
      %add3A_175 = arith.constant 400 : i32
      %add3A_176 = vector.broadcast %add3A_175 : i32 to vector<16xi32>
      %add3A_177 = arith.addi %iota3A, %add3A_176 : vector<16xi32>
      %gather3A_178 = tpu.vector_load_idx %arg8[%broadcast_in_dim3A, %add3A_177] : memref<32x1000xi32, #tpu.memory_space<vmem>>[vector<16xi32>, vector<16xi32>], vector<16xi32>,
      %gather3A_179 = tpu.vector_load_idx %arg7[%broadcast_in_dim3A, %gather3A_178] : memref<32x1024xf32, #tpu.memory_space<vmem>>[vector<16xi32>, vector<16xi32>], vector<16xf32>,
      %add3A_180 = arith.addf %add3A_174, %gather3A_179 : vector<16xf32>
      %add3A_181 = arith.constant 416 : i32
      %add3A_182 = vector.broadcast %add3A_181 : i32 to vector<16xi32>
      %add3A_183 = arith.addi %iota3A, %add3A_182 : vector<16xi32>
      %gather3A_184 = tpu.vector_load_idx %arg8[%broadcast_in_dim3A, %add3A_183] : memref<32x1000xi32, #tpu.memory_space<vmem>>[vector<16xi32>, vector<16xi32>], vector<16xi32>,
      %gather3A_185 = tpu.vector_load_idx %arg7[%broadcast_in_dim3A, %gather3A_184] : memref<32x1024xf32, #tpu.memory_space<vmem>>[vector<16xi32>, vector<16xi32>], vector<16xf32>,
      %add3A_186 = arith.addf %add3A_180, %gather3A_185 : vector<16xf32>
      %add3A_187 = arith.constant 432 : i32
      %add3A_188 = vector.broadcast %add3A_187 : i32 to vector<16xi32>
      %add3A_189 = arith.addi %iota3A, %add3A_188 : vector<16xi32>
      %gather3A_190 = tpu.vector_load_idx %arg8[%broadcast_in_dim3A, %add3A_189] : memref<32x1000xi32, #tpu.memory_space<vmem>>[vector<16xi32>, vector<16xi32>], vector<16xi32>,
      %gather3A_191 = tpu.vector_load_idx %arg7[%broadcast_in_dim3A, %gather3A_190] : memref<32x1024xf32, #tpu.memory_space<vmem>>[vector<16xi32>, vector<16xi32>], vector<16xf32>,
      %add3A_192 = arith.addf %add3A_186, %gather3A_191 : vector<16xf32>
      %add3A_193 = arith.constant 448 : i32
      %add3A_194 = vector.broadcast %add3A_193 : i32 to vector<16xi32>
      %add3A_195 = arith.addi %iota3A, %add3A_194 : vector<16xi32>
      %gather3A_196 = tpu.vector_load_idx %arg8[%broadcast_in_dim3A, %add3A_195] : memref<32x1000xi32, #tpu.memory_space<vmem>>[vector<16xi32>, vector<16xi32>], vector<16xi32>,
      %gather3A_197 = tpu.vector_load_idx %arg7[%broadcast_in_dim3A, %gather3A_196] : memref<32x1024xf32, #tpu.memory_space<vmem>>[vector<16xi32>, vector<16xi32>], vector<16xf32>,
      %add3A_198 = arith.addf %add3A_192, %gather3A_197 : vector<16xf32>
      %add3A_199 = arith.constant 464 : i32
      %add3A_200 = vector.broadcast %add3A_199 : i32 to vector<16xi32>
      %add3A_201 = arith.addi %iota3A, %add3A_200 : vector<16xi32>
      %gather3A_202 = tpu.vector_load_idx %arg8[%broadcast_in_dim3A, %add3A_201] : memref<32x1000xi32, #tpu.memory_space<vmem>>[vector<16xi32>, vector<16xi32>], vector<16xi32>,
      %gather3A_203 = tpu.vector_load_idx %arg7[%broadcast_in_dim3A, %gather3A_202] : memref<32x1024xf32, #tpu.memory_space<vmem>>[vector<16xi32>, vector<16xi32>], vector<16xf32>,
      %add3A_204 = arith.addf %add3A_198, %gather3A_203 : vector<16xf32>
      %add3A_205 = arith.constant 480 : i32
      %add3A_206 = vector.broadcast %add3A_205 : i32 to vector<16xi32>
      %add3A_207 = arith.addi %iota3A, %add3A_206 : vector<16xi32>
      %gather3A_208 = tpu.vector_load_idx %arg8[%broadcast_in_dim3A, %add3A_207] : memref<32x1000xi32, #tpu.memory_space<vmem>>[vector<16xi32>, vector<16xi32>], vector<16xi32>,
      %gather3A_209 = tpu.vector_load_idx %arg7[%broadcast_in_dim3A, %gather3A_208] : memref<32x1024xf32, #tpu.memory_space<vmem>>[vector<16xi32>, vector<16xi32>], vector<16xf32>,
      %add3A_210 = arith.addf %add3A_204, %gather3A_209 : vector<16xf32>
      %add3A_211 = arith.constant 496 : i32
      %add3A_212 = vector.broadcast %add3A_211 : i32 to vector<16xi32>
      %add3A_213 = arith.addi %iota3A, %add3A_212 : vector<16xi32>
      %gather3A_214 = tpu.vector_load_idx %arg8[%broadcast_in_dim3A, %add3A_213] : memref<32x1000xi32, #tpu.memory_space<vmem>>[vector<16xi32>, vector<16xi32>], vector<16xi32>,
      %gather3A_215 = tpu.vector_load_idx %arg7[%broadcast_in_dim3A, %gather3A_214] : memref<32x1024xf32, #tpu.memory_space<vmem>>[vector<16xi32>, vector<16xi32>], vector<16xf32>,
      %add3A_216 = arith.addf %add3A_210, %gather3A_215 : vector<16xf32>
      %add3A_217 = arith.constant 512 : i32
      %add3A_218 = vector.broadcast %add3A_217 : i32 to vector<16xi32>
      %add3A_219 = arith.addi %iota3A, %add3A_218 : vector<16xi32>
      %gather3A_220 = tpu.vector_load_idx %arg8[%broadcast_in_dim3A, %add3A_219] : memref<32x1000xi32, #tpu.memory_space<vmem>>[vector<16xi32>, vector<16xi32>], vector<16xi32>,
      %gather3A_221 = tpu.vector_load_idx %arg7[%broadcast_in_dim3A, %gather3A_220] : memref<32x1024xf32, #tpu.memory_space<vmem>>[vector<16xi32>, vector<16xi32>], vector<16xf32>,
      %add3A_222 = arith.addf %add3A_216, %gather3A_221 : vector<16xf32>
      %add3A_223 = arith.constant 528 : i32
      %add3A_224 = vector.broadcast %add3A_223 : i32 to vector<16xi32>
      %add3A_225 = arith.addi %iota3A, %add3A_224 : vector<16xi32>
      %gather3A_226 = tpu.vector_load_idx %arg8[%broadcast_in_dim3A, %add3A_225] : memref<32x1000xi32, #tpu.memory_space<vmem>>[vector<16xi32>, vector<16xi32>], vector<16xi32>,
      %gather3A_227 = tpu.vector_load_idx %arg7[%broadcast_in_dim3A, %gather3A_226] : memref<32x1024xf32, #tpu.memory_space<vmem>>[vector<16xi32>, vector<16xi32>], vector<16xf32>,
      %add3A_228 = arith.addf %add3A_222, %gather3A_227 : vector<16xf32>
      %add3A_229 = arith.constant 544 : i32
      %add3A_230 = vector.broadcast %add3A_229 : i32 to vector<16xi32>
      %add3A_231 = arith.addi %iota3A, %add3A_230 : vector<16xi32>
      %gather3A_232 = tpu.vector_load_idx %arg8[%broadcast_in_dim3A, %add3A_231] : memref<32x1000xi32, #tpu.memory_space<vmem>>[vector<16xi32>, vector<16xi32>], vector<16xi32>,
      %gather3A_233 = tpu.vector_load_idx %arg7[%broadcast_in_dim3A, %gather3A_232] : memref<32x1024xf32, #tpu.memory_space<vmem>>[vector<16xi32>, vector<16xi32>], vector<16xf32>,
      %add3A_234 = arith.addf %add3A_228, %gather3A_233 : vector<16xf32>
      %add3A_235 = arith.constant 560 : i32
      %add3A_236 = vector.broadcast %add3A_235 : i32 to vector<16xi32>
      %add3A_237 = arith.addi %iota3A, %add3A_236 : vector<16xi32>
      %gather3A_238 = tpu.vector_load_idx %arg8[%broadcast_in_dim3A, %add3A_237] : memref<32x1000xi32, #tpu.memory_space<vmem>>[vector<16xi32>, vector<16xi32>], vector<16xi32>,
      %gather3A_239 = tpu.vector_load_idx %arg7[%broadcast_in_dim3A, %gather3A_238] : memref<32x1024xf32, #tpu.memory_space<vmem>>[vector<16xi32>, vector<16xi32>], vector<16xf32>,
      %add3A_240 = arith.addf %add3A_234, %gather3A_239 : vector<16xf32>
      %add3A_241 = arith.constant 576 : i32
      %add3A_242 = vector.broadcast %add3A_241 : i32 to vector<16xi32>
      %add3A_243 = arith.addi %iota3A, %add3A_242 : vector<16xi32>
      %gather3A_244 = tpu.vector_load_idx %arg8[%broadcast_in_dim3A, %add3A_243] : memref<32x1000xi32, #tpu.memory_space<vmem>>[vector<16xi32>, vector<16xi32>], vector<16xi32>,
      %gather3A_245 = tpu.vector_load_idx %arg7[%broadcast_in_dim3A, %gather3A_244] : memref<32x1024xf32, #tpu.memory_space<vmem>>[vector<16xi32>, vector<16xi32>], vector<16xf32>,
      %add3A_246 = arith.addf %add3A_240, %gather3A_245 : vector<16xf32>
      %add3A_247 = arith.constant 592 : i32
      %add3A_248 = vector.broadcast %add3A_247 : i32 to vector<16xi32>
      %add3A_249 = arith.addi %iota3A, %add3A_248 : vector<16xi32>
      %gather3A_250 = tpu.vector_load_idx %arg8[%broadcast_in_dim3A, %add3A_249] : memref<32x1000xi32, #tpu.memory_space<vmem>>[vector<16xi32>, vector<16xi32>], vector<16xi32>,
      %gather3A_251 = tpu.vector_load_idx %arg7[%broadcast_in_dim3A, %gather3A_250] : memref<32x1024xf32, #tpu.memory_space<vmem>>[vector<16xi32>, vector<16xi32>], vector<16xf32>,
      %add3A_252 = arith.addf %add3A_246, %gather3A_251 : vector<16xf32>
      %add3A_253 = arith.constant 608 : i32
      %add3A_254 = vector.broadcast %add3A_253 : i32 to vector<16xi32>
      %add3A_255 = arith.addi %iota3A, %add3A_254 : vector<16xi32>
      %gather3A_256 = tpu.vector_load_idx %arg8[%broadcast_in_dim3A, %add3A_255] : memref<32x1000xi32, #tpu.memory_space<vmem>>[vector<16xi32>, vector<16xi32>], vector<16xi32>,
      %gather3A_257 = tpu.vector_load_idx %arg7[%broadcast_in_dim3A, %gather3A_256] : memref<32x1024xf32, #tpu.memory_space<vmem>>[vector<16xi32>, vector<16xi32>], vector<16xf32>,
      %add3A_258 = arith.addf %add3A_252, %gather3A_257 : vector<16xf32>
      %add3A_259 = arith.constant 624 : i32
      %add3A_260 = vector.broadcast %add3A_259 : i32 to vector<16xi32>
      %add3A_261 = arith.addi %iota3A, %add3A_260 : vector<16xi32>
      %gather3A_262 = tpu.vector_load_idx %arg8[%broadcast_in_dim3A, %add3A_261] : memref<32x1000xi32, #tpu.memory_space<vmem>>[vector<16xi32>, vector<16xi32>], vector<16xi32>,
      %gather3A_263 = tpu.vector_load_idx %arg7[%broadcast_in_dim3A, %gather3A_262] : memref<32x1024xf32, #tpu.memory_space<vmem>>[vector<16xi32>, vector<16xi32>], vector<16xf32>,
      %add3A_264 = arith.addf %add3A_258, %gather3A_263 : vector<16xf32>
      %add3A_265 = arith.constant 640 : i32
      %add3A_266 = vector.broadcast %add3A_265 : i32 to vector<16xi32>
      %add3A_267 = arith.addi %iota3A, %add3A_266 : vector<16xi32>
      %gather3A_268 = tpu.vector_load_idx %arg8[%broadcast_in_dim3A, %add3A_267] : memref<32x1000xi32, #tpu.memory_space<vmem>>[vector<16xi32>, vector<16xi32>], vector<16xi32>,
      %gather3A_269 = tpu.vector_load_idx %arg7[%broadcast_in_dim3A, %gather3A_268] : memref<32x1024xf32, #tpu.memory_space<vmem>>[vector<16xi32>, vector<16xi32>], vector<16xf32>,
      %add3A_270 = arith.addf %add3A_264, %gather3A_269 : vector<16xf32>
      %add3A_271 = arith.constant 656 : i32
      %add3A_272 = vector.broadcast %add3A_271 : i32 to vector<16xi32>
      %add3A_273 = arith.addi %iota3A, %add3A_272 : vector<16xi32>
      %gather3A_274 = tpu.vector_load_idx %arg8[%broadcast_in_dim3A, %add3A_273] : memref<32x1000xi32, #tpu.memory_space<vmem>>[vector<16xi32>, vector<16xi32>], vector<16xi32>,
      %gather3A_275 = tpu.vector_load_idx %arg7[%broadcast_in_dim3A, %gather3A_274] : memref<32x1024xf32, #tpu.memory_space<vmem>>[vector<16xi32>, vector<16xi32>], vector<16xf32>,
      %add3A_276 = arith.addf %add3A_270, %gather3A_275 : vector<16xf32>
      %add3A_277 = arith.constant 672 : i32
      %add3A_278 = vector.broadcast %add3A_277 : i32 to vector<16xi32>
      %add3A_279 = arith.addi %iota3A, %add3A_278 : vector<16xi32>
      %gather3A_280 = tpu.vector_load_idx %arg8[%broadcast_in_dim3A, %add3A_279] : memref<32x1000xi32, #tpu.memory_space<vmem>>[vector<16xi32>, vector<16xi32>], vector<16xi32>,
      %gather3A_281 = tpu.vector_load_idx %arg7[%broadcast_in_dim3A, %gather3A_280] : memref<32x1024xf32, #tpu.memory_space<vmem>>[vector<16xi32>, vector<16xi32>], vector<16xf32>,
      %add3A_282 = arith.addf %add3A_276, %gather3A_281 : vector<16xf32>
      %add3A_283 = arith.constant 688 : i32
      %add3A_284 = vector.broadcast %add3A_283 : i32 to vector<16xi32>
      %add3A_285 = arith.addi %iota3A, %add3A_284 : vector<16xi32>
      %gather3A_286 = tpu.vector_load_idx %arg8[%broadcast_in_dim3A, %add3A_285] : memref<32x1000xi32, #tpu.memory_space<vmem>>[vector<16xi32>, vector<16xi32>], vector<16xi32>,
      %gather3A_287 = tpu.vector_load_idx %arg7[%broadcast_in_dim3A, %gather3A_286] : memref<32x1024xf32, #tpu.memory_space<vmem>>[vector<16xi32>, vector<16xi32>], vector<16xf32>,
      %add3A_288 = arith.addf %add3A_282, %gather3A_287 : vector<16xf32>
      %add3A_289 = arith.constant 704 : i32
      %add3A_290 = vector.broadcast %add3A_289 : i32 to vector<16xi32>
      %add3A_291 = arith.addi %iota3A, %add3A_290 : vector<16xi32>
      %gather3A_292 = tpu.vector_load_idx %arg8[%broadcast_in_dim3A, %add3A_291] : memref<32x1000xi32, #tpu.memory_space<vmem>>[vector<16xi32>, vector<16xi32>], vector<16xi32>,
      %gather3A_293 = tpu.vector_load_idx %arg7[%broadcast_in_dim3A, %gather3A_292] : memref<32x1024xf32, #tpu.memory_space<vmem>>[vector<16xi32>, vector<16xi32>], vector<16xf32>,
      %add3A_294 = arith.addf %add3A_288, %gather3A_293 : vector<16xf32>
      %add3A_295 = arith.constant 720 : i32
      %add3A_296 = vector.broadcast %add3A_295 : i32 to vector<16xi32>
      %add3A_297 = arith.addi %iota3A, %add3A_296 : vector<16xi32>
      %gather3A_298 = tpu.vector_load_idx %arg8[%broadcast_in_dim3A, %add3A_297] : memref<32x1000xi32, #tpu.memory_space<vmem>>[vector<16xi32>, vector<16xi32>], vector<16xi32>,
      %gather3A_299 = tpu.vector_load_idx %arg7[%broadcast_in_dim3A, %gather3A_298] : memref<32x1024xf32, #tpu.memory_space<vmem>>[vector<16xi32>, vector<16xi32>], vector<16xf32>,
      %add3A_300 = arith.addf %add3A_294, %gather3A_299 : vector<16xf32>
      %add3A_301 = arith.constant 736 : i32
      %add3A_302 = vector.broadcast %add3A_301 : i32 to vector<16xi32>
      %add3A_303 = arith.addi %iota3A, %add3A_302 : vector<16xi32>
      %gather3A_304 = tpu.vector_load_idx %arg8[%broadcast_in_dim3A, %add3A_303] : memref<32x1000xi32, #tpu.memory_space<vmem>>[vector<16xi32>, vector<16xi32>], vector<16xi32>,
      %gather3A_305 = tpu.vector_load_idx %arg7[%broadcast_in_dim3A, %gather3A_304] : memref<32x1024xf32, #tpu.memory_space<vmem>>[vector<16xi32>, vector<16xi32>], vector<16xf32>,
      %add3A_306 = arith.addf %add3A_300, %gather3A_305 : vector<16xf32>
      %add3A_307 = arith.constant 752 : i32
      %add3A_308 = vector.broadcast %add3A_307 : i32 to vector<16xi32>
      %add3A_309 = arith.addi %iota3A, %add3A_308 : vector<16xi32>
      %gather3A_310 = tpu.vector_load_idx %arg8[%broadcast_in_dim3A, %add3A_309] : memref<32x1000xi32, #tpu.memory_space<vmem>>[vector<16xi32>, vector<16xi32>], vector<16xi32>,
      %gather3A_311 = tpu.vector_load_idx %arg7[%broadcast_in_dim3A, %gather3A_310] : memref<32x1024xf32, #tpu.memory_space<vmem>>[vector<16xi32>, vector<16xi32>], vector<16xf32>,
      %add3A_312 = arith.addf %add3A_306, %gather3A_311 : vector<16xf32>
      %add3A_313 = arith.constant 768 : i32
      %add3A_314 = vector.broadcast %add3A_313 : i32 to vector<16xi32>
      %add3A_315 = arith.addi %iota3A, %add3A_314 : vector<16xi32>
      %gather3A_316 = tpu.vector_load_idx %arg8[%broadcast_in_dim3A, %add3A_315] : memref<32x1000xi32, #tpu.memory_space<vmem>>[vector<16xi32>, vector<16xi32>], vector<16xi32>,
      %gather3A_317 = tpu.vector_load_idx %arg7[%broadcast_in_dim3A, %gather3A_316] : memref<32x1024xf32, #tpu.memory_space<vmem>>[vector<16xi32>, vector<16xi32>], vector<16xf32>,
      %add3A_318 = arith.addf %add3A_312, %gather3A_317 : vector<16xf32>
      %add3A_319 = arith.constant 784 : i32
      %add3A_320 = vector.broadcast %add3A_319 : i32 to vector<16xi32>
      %add3A_321 = arith.addi %iota3A, %add3A_320 : vector<16xi32>
      %gather3A_322 = tpu.vector_load_idx %arg8[%broadcast_in_dim3A, %add3A_321] : memref<32x1000xi32, #tpu.memory_space<vmem>>[vector<16xi32>, vector<16xi32>], vector<16xi32>,
      %gather3A_323 = tpu.vector_load_idx %arg7[%broadcast_in_dim3A, %gather3A_322] : memref<32x1024xf32, #tpu.memory_space<vmem>>[vector<16xi32>, vector<16xi32>], vector<16xf32>,
      %add3A_324 = arith.addf %add3A_318, %gather3A_323 : vector<16xf32>
      %add3A_325 = arith.constant 800 : i32
      %add3A_326 = vector.broadcast %add3A_325 : i32 to vector<16xi32>
      %add3A_327 = arith.addi %iota3A, %add3A_326 : vector<16xi32>
      %gather3A_328 = tpu.vector_load_idx %arg8[%broadcast_in_dim3A, %add3A_327] : memref<32x1000xi32, #tpu.memory_space<vmem>>[vector<16xi32>, vector<16xi32>], vector<16xi32>,
      %gather3A_329 = tpu.vector_load_idx %arg7[%broadcast_in_dim3A, %gather3A_328] : memref<32x1024xf32, #tpu.memory_space<vmem>>[vector<16xi32>, vector<16xi32>], vector<16xf32>,
      %add3A_330 = arith.addf %add3A_324, %gather3A_329 : vector<16xf32>
      %add3A_331 = arith.constant 816 : i32
      %add3A_332 = vector.broadcast %add3A_331 : i32 to vector<16xi32>
      %add3A_333 = arith.addi %iota3A, %add3A_332 : vector<16xi32>
      %gather3A_334 = tpu.vector_load_idx %arg8[%broadcast_in_dim3A, %add3A_333] : memref<32x1000xi32, #tpu.memory_space<vmem>>[vector<16xi32>, vector<16xi32>], vector<16xi32>,
      %gather3A_335 = tpu.vector_load_idx %arg7[%broadcast_in_dim3A, %gather3A_334] : memref<32x1024xf32, #tpu.memory_space<vmem>>[vector<16xi32>, vector<16xi32>], vector<16xf32>,
      %add3A_336 = arith.addf %add3A_330, %gather3A_335 : vector<16xf32>
      %add3A_337 = arith.constant 832 : i32
      %add3A_338 = vector.broadcast %add3A_337 : i32 to vector<16xi32>
      %add3A_339 = arith.addi %iota3A, %add3A_338 : vector<16xi32>
      %gather3A_340 = tpu.vector_load_idx %arg8[%broadcast_in_dim3A, %add3A_339] : memref<32x1000xi32, #tpu.memory_space<vmem>>[vector<16xi32>, vector<16xi32>], vector<16xi32>,
      %gather3A_341 = tpu.vector_load_idx %arg7[%broadcast_in_dim3A, %gather3A_340] : memref<32x1024xf32, #tpu.memory_space<vmem>>[vector<16xi32>, vector<16xi32>], vector<16xf32>,
      %add3A_342 = arith.addf %add3A_336, %gather3A_341 : vector<16xf32>
      %add3A_343 = arith.constant 848 : i32
      %add3A_344 = vector.broadcast %add3A_343 : i32 to vector<16xi32>
      %add3A_345 = arith.addi %iota3A, %add3A_344 : vector<16xi32>
      %gather3A_346 = tpu.vector_load_idx %arg8[%broadcast_in_dim3A, %add3A_345] : memref<32x1000xi32, #tpu.memory_space<vmem>>[vector<16xi32>, vector<16xi32>], vector<16xi32>,
      %gather3A_347 = tpu.vector_load_idx %arg7[%broadcast_in_dim3A, %gather3A_346] : memref<32x1024xf32, #tpu.memory_space<vmem>>[vector<16xi32>, vector<16xi32>], vector<16xf32>,
      %add3A_348 = arith.addf %add3A_342, %gather3A_347 : vector<16xf32>
      %add3A_349 = arith.constant 864 : i32
      %add3A_350 = vector.broadcast %add3A_349 : i32 to vector<16xi32>
      %add3A_351 = arith.addi %iota3A, %add3A_350 : vector<16xi32>
      %gather3A_352 = tpu.vector_load_idx %arg8[%broadcast_in_dim3A, %add3A_351] : memref<32x1000xi32, #tpu.memory_space<vmem>>[vector<16xi32>, vector<16xi32>], vector<16xi32>,
      %gather3A_353 = tpu.vector_load_idx %arg7[%broadcast_in_dim3A, %gather3A_352] : memref<32x1024xf32, #tpu.memory_space<vmem>>[vector<16xi32>, vector<16xi32>], vector<16xf32>,
      %add3A_354 = arith.addf %add3A_348, %gather3A_353 : vector<16xf32>
      %add3A_355 = arith.constant 880 : i32
      %add3A_356 = vector.broadcast %add3A_355 : i32 to vector<16xi32>
      %add3A_357 = arith.addi %iota3A, %add3A_356 : vector<16xi32>
      %gather3A_358 = tpu.vector_load_idx %arg8[%broadcast_in_dim3A, %add3A_357] : memref<32x1000xi32, #tpu.memory_space<vmem>>[vector<16xi32>, vector<16xi32>], vector<16xi32>,
      %gather3A_359 = tpu.vector_load_idx %arg7[%broadcast_in_dim3A, %gather3A_358] : memref<32x1024xf32, #tpu.memory_space<vmem>>[vector<16xi32>, vector<16xi32>], vector<16xf32>,
      %add3A_360 = arith.addf %add3A_354, %gather3A_359 : vector<16xf32>
      %add3A_361 = arith.constant 896 : i32
      %add3A_362 = vector.broadcast %add3A_361 : i32 to vector<16xi32>
      %add3A_363 = arith.addi %iota3A, %add3A_362 : vector<16xi32>
      %gather3A_364 = tpu.vector_load_idx %arg8[%broadcast_in_dim3A, %add3A_363] : memref<32x1000xi32, #tpu.memory_space<vmem>>[vector<16xi32>, vector<16xi32>], vector<16xi32>,
      %gather3A_365 = tpu.vector_load_idx %arg7[%broadcast_in_dim3A, %gather3A_364] : memref<32x1024xf32, #tpu.memory_space<vmem>>[vector<16xi32>, vector<16xi32>], vector<16xf32>,
      %add3A_366 = arith.addf %add3A_360, %gather3A_365 : vector<16xf32>
      %add3A_367 = arith.constant 912 : i32
      %add3A_368 = vector.broadcast %add3A_367 : i32 to vector<16xi32>
      %add3A_369 = arith.addi %iota3A, %add3A_368 : vector<16xi32>
      %gather3A_370 = tpu.vector_load_idx %arg8[%broadcast_in_dim3A, %add3A_369] : memref<32x1000xi32, #tpu.memory_space<vmem>>[vector<16xi32>, vector<16xi32>], vector<16xi32>,
      %gather3A_371 = tpu.vector_load_idx %arg7[%broadcast_in_dim3A, %gather3A_370] : memref<32x1024xf32, #tpu.memory_space<vmem>>[vector<16xi32>, vector<16xi32>], vector<16xf32>,
      %add3A_372 = arith.addf %add3A_366, %gather3A_371 : vector<16xf32>
      %add3A_373 = arith.constant 928 : i32
      %add3A_374 = vector.broadcast %add3A_373 : i32 to vector<16xi32>
      %add3A_375 = arith.addi %iota3A, %add3A_374 : vector<16xi32>
      %gather3A_376 = tpu.vector_load_idx %arg8[%broadcast_in_dim3A, %add3A_375] : memref<32x1000xi32, #tpu.memory_space<vmem>>[vector<16xi32>, vector<16xi32>], vector<16xi32>,
      %gather3A_377 = tpu.vector_load_idx %arg7[%broadcast_in_dim3A, %gather3A_376] : memref<32x1024xf32, #tpu.memory_space<vmem>>[vector<16xi32>, vector<16xi32>], vector<16xf32>,
      %add3A_378 = arith.addf %add3A_372, %gather3A_377 : vector<16xf32>
      %add3A_379 = arith.constant 944 : i32
      %add3A_380 = vector.broadcast %add3A_379 : i32 to vector<16xi32>
      %add3A_381 = arith.addi %iota3A, %add3A_380 : vector<16xi32>
      %gather3A_382 = tpu.vector_load_idx %arg8[%broadcast_in_dim3A, %add3A_381] : memref<32x1000xi32, #tpu.memory_space<vmem>>[vector<16xi32>, vector<16xi32>], vector<16xi32>,
      %gather3A_383 = tpu.vector_load_idx %arg7[%broadcast_in_dim3A, %gather3A_382] : memref<32x1024xf32, #tpu.memory_space<vmem>>[vector<16xi32>, vector<16xi32>], vector<16xf32>,
      %add3A_384 = arith.addf %add3A_378, %gather3A_383 : vector<16xf32>
      %add3A_385 = arith.constant 960 : i32
      %add3A_386 = vector.broadcast %add3A_385 : i32 to vector<16xi32>
      %add3A_387 = arith.addi %iota3A, %add3A_386 : vector<16xi32>
      %gather3A_388 = tpu.vector_load_idx %arg8[%broadcast_in_dim3A, %add3A_387] : memref<32x1000xi32, #tpu.memory_space<vmem>>[vector<16xi32>, vector<16xi32>], vector<16xi32>,
      %gather3A_389 = tpu.vector_load_idx %arg7[%broadcast_in_dim3A, %gather3A_388] : memref<32x1024xf32, #tpu.memory_space<vmem>>[vector<16xi32>, vector<16xi32>], vector<16xf32>,
      %add3A_390 = arith.addf %add3A_384, %gather3A_389 : vector<16xf32>
      %add3A_391 = arith.constant 976 : i32
      %add3A_392 = vector.broadcast %add3A_391 : i32 to vector<16xi32>
      %add3A_393 = arith.addi %iota3A, %add3A_392 : vector<16xi32>
      %gather3A_394 = tpu.vector_load_idx %arg8[%broadcast_in_dim3A, %add3A_393] : memref<32x1000xi32, #tpu.memory_space<vmem>>[vector<16xi32>, vector<16xi32>], vector<16xi32>,
      %gather3A_395 = tpu.vector_load_idx %arg7[%broadcast_in_dim3A, %gather3A_394] : memref<32x1024xf32, #tpu.memory_space<vmem>>[vector<16xi32>, vector<16xi32>], vector<16xf32>,
      %add3A_396 = arith.addf %add3A_390, %gather3A_395 : vector<16xf32>
      %add3A_397 = arith.constant 992 : i32
      %add3A_398 = vector.broadcast %add3A_397 : i32 to vector<16xi32>
      %add3A_399 = arith.addi %iota3A, %add3A_398 : vector<16xi32>
      %min3A = arith.constant 999 : i32
      %min3A_400 = vector.broadcast %min3A : i32 to vector<16xi32>
      %min3A_401 = arith.minsi %add3A_399, %min3A_400 : vector<16xi32>
      %gather3A_402 = tpu.vector_load_idx %arg8[%broadcast_in_dim3A, %min3A_401] : memref<32x1000xi32, #tpu.memory_space<vmem>>[vector<16xi32>, vector<16xi32>], vector<16xi32>,
      %gather3A_403 = tpu.vector_load_idx %arg7[%broadcast_in_dim3A, %gather3A_402] : memref<32x1024xf32, #tpu.memory_space<vmem>>[vector<16xi32>, vector<16xi32>], vector<16xf32>,
      %lt3A = arith.constant 8 : i32
      %lt3A_404 = vector.broadcast %lt3A : i32 to vector<16xi32>
      %lt3A_405 = arith.cmpi slt, %iota3A, %lt3A_404 : vector<16xi32>
      %jit3A = arith.constant 0.000000e+00 : f32
      %broadcast_in_dim3A_406 = vector.broadcast %jit3A : f32 to vector<16xf32>
      %select_n3A = arith.select %lt3A_405, %gather3A_403, %broadcast_in_dim3A_406 : vector<16xi1>, vector<16xf32>
      %add3A_407 = arith.addf %add3A_396, %select_n3A : vector<16xf32>
      tpu.vector_store_idx %arg10[%broadcast_in_dim3A, %iota3A], %add3A_407 : memref<32x16xf32, #tpu.memory_space<vmem>>[vector<16xi32>, vector<16xi32>], vector<16xf32>,
      %broadcast_in_dim3A_408 = arith.constant 0.000000e+00 : f32
      %broadcast_in_dim3A_409 = vector.broadcast %broadcast_in_dim3A_408 : f32 to vector<16xf32>
      %add3A_410 = arith.constant 0 : i32
      %add3A_411 = vector.broadcast %add3A_410 : i32 to vector<16xi32>
      %add3A_412 = arith.addi %iota3A, %add3A_411 : vector<16xi32>
      %gather3A_413 = tpu.vector_load_idx %arg8[%broadcast_in_dim3A_22, %add3A_412] : memref<32x1000xi32, #tpu.memory_space<vmem>>[vector<16xi32>, vector<16xi32>], vector<16xi32>,
      %gather3A_414 = tpu.vector_load_idx %arg7[%broadcast_in_dim3A_22, %gather3A_413] : memref<32x1024xf32, #tpu.memory_space<vmem>>[vector<16xi32>, vector<16xi32>], vector<16xf32>,
      %add3A_415 = arith.addf %broadcast_in_dim3A_409, %gather3A_414 : vector<16xf32>
      %add3A_416 = arith.constant 16 : i32
      %add3A_417 = vector.broadcast %add3A_416 : i32 to vector<16xi32>
      %add3A_418 = arith.addi %iota3A, %add3A_417 : vector<16xi32>
      %gather3A_419 = tpu.vector_load_idx %arg8[%broadcast_in_dim3A_22, %add3A_418] : memref<32x1000xi32, #tpu.memory_space<vmem>>[vector<16xi32>, vector<16xi32>], vector<16xi32>,
      %gather3A_420 = tpu.vector_load_idx %arg7[%broadcast_in_dim3A_22, %gather3A_419] : memref<32x1024xf32, #tpu.memory_space<vmem>>[vector<16xi32>, vector<16xi32>], vector<16xf32>,
      %add3A_421 = arith.addf %add3A_415, %gather3A_420 : vector<16xf32>
      %add3A_422 = arith.constant 32 : i32
      %add3A_423 = vector.broadcast %add3A_422 : i32 to vector<16xi32>
      %add3A_424 = arith.addi %iota3A, %add3A_423 : vector<16xi32>
      %gather3A_425 = tpu.vector_load_idx %arg8[%broadcast_in_dim3A_22, %add3A_424] : memref<32x1000xi32, #tpu.memory_space<vmem>>[vector<16xi32>, vector<16xi32>], vector<16xi32>,
      %gather3A_426 = tpu.vector_load_idx %arg7[%broadcast_in_dim3A_22, %gather3A_425] : memref<32x1024xf32, #tpu.memory_space<vmem>>[vector<16xi32>, vector<16xi32>], vector<16xf32>,
      %add3A_427 = arith.addf %add3A_421, %gather3A_426 : vector<16xf32>
      %add3A_428 = arith.constant 48 : i32
      %add3A_429 = vector.broadcast %add3A_428 : i32 to vector<16xi32>
      %add3A_430 = arith.addi %iota3A, %add3A_429 : vector<16xi32>
      %gather3A_431 = tpu.vector_load_idx %arg8[%broadcast_in_dim3A_22, %add3A_430] : memref<32x1000xi32, #tpu.memory_space<vmem>>[vector<16xi32>, vector<16xi32>], vector<16xi32>,
      %gather3A_432 = tpu.vector_load_idx %arg7[%broadcast_in_dim3A_22, %gather3A_431] : memref<32x1024xf32, #tpu.memory_space<vmem>>[vector<16xi32>, vector<16xi32>], vector<16xf32>,
      %add3A_433 = arith.addf %add3A_427, %gather3A_432 : vector<16xf32>
      %add3A_434 = arith.constant 64 : i32
      %add3A_435 = vector.broadcast %add3A_434 : i32 to vector<16xi32>
      %add3A_436 = arith.addi %iota3A, %add3A_435 : vector<16xi32>
      %gather3A_437 = tpu.vector_load_idx %arg8[%broadcast_in_dim3A_22, %add3A_436] : memref<32x1000xi32, #tpu.memory_space<vmem>>[vector<16xi32>, vector<16xi32>], vector<16xi32>,
      %gather3A_438 = tpu.vector_load_idx %arg7[%broadcast_in_dim3A_22, %gather3A_437] : memref<32x1024xf32, #tpu.memory_space<vmem>>[vector<16xi32>, vector<16xi32>], vector<16xf32>,
      %add3A_439 = arith.addf %add3A_433, %gather3A_438 : vector<16xf32>
      %add3A_440 = arith.constant 80 : i32
      %add3A_441 = vector.broadcast %add3A_440 : i32 to vector<16xi32>
      %add3A_442 = arith.addi %iota3A, %add3A_441 : vector<16xi32>
      %gather3A_443 = tpu.vector_load_idx %arg8[%broadcast_in_dim3A_22, %add3A_442] : memref<32x1000xi32, #tpu.memory_space<vmem>>[vector<16xi32>, vector<16xi32>], vector<16xi32>,
      %gather3A_444 = tpu.vector_load_idx %arg7[%broadcast_in_dim3A_22, %gather3A_443] : memref<32x1024xf32, #tpu.memory_space<vmem>>[vector<16xi32>, vector<16xi32>], vector<16xf32>,
      %add3A_445 = arith.addf %add3A_439, %gather3A_444 : vector<16xf32>
      %add3A_446 = arith.constant 96 : i32
      %add3A_447 = vector.broadcast %add3A_446 : i32 to vector<16xi32>
      %add3A_448 = arith.addi %iota3A, %add3A_447 : vector<16xi32>
      %gather3A_449 = tpu.vector_load_idx %arg8[%broadcast_in_dim3A_22, %add3A_448] : memref<32x1000xi32, #tpu.memory_space<vmem>>[vector<16xi32>, vector<16xi32>], vector<16xi32>,
      %gather3A_450 = tpu.vector_load_idx %arg7[%broadcast_in_dim3A_22, %gather3A_449] : memref<32x1024xf32, #tpu.memory_space<vmem>>[vector<16xi32>, vector<16xi32>], vector<16xf32>,
      %add3A_451 = arith.addf %add3A_445, %gather3A_450 : vector<16xf32>
      %add3A_452 = arith.constant 112 : i32
      %add3A_453 = vector.broadcast %add3A_452 : i32 to vector<16xi32>
      %add3A_454 = arith.addi %iota3A, %add3A_453 : vector<16xi32>
      %gather3A_455 = tpu.vector_load_idx %arg8[%broadcast_in_dim3A_22, %add3A_454] : memref<32x1000xi32, #tpu.memory_space<vmem>>[vector<16xi32>, vector<16xi32>], vector<16xi32>,
      %gather3A_456 = tpu.vector_load_idx %arg7[%broadcast_in_dim3A_22, %gather3A_455] : memref<32x1024xf32, #tpu.memory_space<vmem>>[vector<16xi32>, vector<16xi32>], vector<16xf32>,
      %add3A_457 = arith.addf %add3A_451, %gather3A_456 : vector<16xf32>
      %add3A_458 = arith.constant 128 : i32
      %add3A_459 = vector.broadcast %add3A_458 : i32 to vector<16xi32>
      %add3A_460 = arith.addi %iota3A, %add3A_459 : vector<16xi32>
      %gather3A_461 = tpu.vector_load_idx %arg8[%broadcast_in_dim3A_22, %add3A_460] : memref<32x1000xi32, #tpu.memory_space<vmem>>[vector<16xi32>, vector<16xi32>], vector<16xi32>,
      %gather3A_462 = tpu.vector_load_idx %arg7[%broadcast_in_dim3A_22, %gather3A_461] : memref<32x1024xf32, #tpu.memory_space<vmem>>[vector<16xi32>, vector<16xi32>], vector<16xf32>,
      %add3A_463 = arith.addf %add3A_457, %gather3A_462 : vector<16xf32>
      %add3A_464 = arith.constant 144 : i32
      %add3A_465 = vector.broadcast %add3A_464 : i32 to vector<16xi32>
      %add3A_466 = arith.addi %iota3A, %add3A_465 : vector<16xi32>
      %gather3A_467 = tpu.vector_load_idx %arg8[%broadcast_in_dim3A_22, %add3A_466] : memref<32x1000xi32, #tpu.memory_space<vmem>>[vector<16xi32>, vector<16xi32>], vector<16xi32>,
      %gather3A_468 = tpu.vector_load_idx %arg7[%broadcast_in_dim3A_22, %gather3A_467] : memref<32x1024xf32, #tpu.memory_space<vmem>>[vector<16xi32>, vector<16xi32>], vector<16xf32>,
      %add3A_469 = arith.addf %add3A_463, %gather3A_468 : vector<16xf32>
      %add3A_470 = arith.constant 160 : i32
      %add3A_471 = vector.broadcast %add3A_470 : i32 to vector<16xi32>
      %add3A_472 = arith.addi %iota3A, %add3A_471 : vector<16xi32>
      %gather3A_473 = tpu.vector_load_idx %arg8[%broadcast_in_dim3A_22, %add3A_472] : memref<32x1000xi32, #tpu.memory_space<vmem>>[vector<16xi32>, vector<16xi32>], vector<16xi32>,
      %gather3A_474 = tpu.vector_load_idx %arg7[%broadcast_in_dim3A_22, %gather3A_473] : memref<32x1024xf32, #tpu.memory_space<vmem>>[vector<16xi32>, vector<16xi32>], vector<16xf32>,
      %add3A_475 = arith.addf %add3A_469, %gather3A_474 : vector<16xf32>
      %add3A_476 = arith.constant 176 : i32
      %add3A_477 = vector.broadcast %add3A_476 : i32 to vector<16xi32>
      %add3A_478 = arith.addi %iota3A, %add3A_477 : vector<16xi32>
      %gather3A_479 = tpu.vector_load_idx %arg8[%broadcast_in_dim3A_22, %add3A_478] : memref<32x1000xi32, #tpu.memory_space<vmem>>[vector<16xi32>, vector<16xi32>], vector<16xi32>,
      %gather3A_480 = tpu.vector_load_idx %arg7[%broadcast_in_dim3A_22, %gather3A_479] : memref<32x1024xf32, #tpu.memory_space<vmem>>[vector<16xi32>, vector<16xi32>], vector<16xf32>,
      %add3A_481 = arith.addf %add3A_475, %gather3A_480 : vector<16xf32>
      %add3A_482 = arith.constant 192 : i32
      %add3A_483 = vector.broadcast %add3A_482 : i32 to vector<16xi32>
      %add3A_484 = arith.addi %iota3A, %add3A_483 : vector<16xi32>
      %gather3A_485 = tpu.vector_load_idx %arg8[%broadcast_in_dim3A_22, %add3A_484] : memref<32x1000xi32, #tpu.memory_space<vmem>>[vector<16xi32>, vector<16xi32>], vector<16xi32>,
      %gather3A_486 = tpu.vector_load_idx %arg7[%broadcast_in_dim3A_22, %gather3A_485] : memref<32x1024xf32, #tpu.memory_space<vmem>>[vector<16xi32>, vector<16xi32>], vector<16xf32>,
      %add3A_487 = arith.addf %add3A_481, %gather3A_486 : vector<16xf32>
      %add3A_488 = arith.constant 208 : i32
      %add3A_489 = vector.broadcast %add3A_488 : i32 to vector<16xi32>
      %add3A_490 = arith.addi %iota3A, %add3A_489 : vector<16xi32>
      %gather3A_491 = tpu.vector_load_idx %arg8[%broadcast_in_dim3A_22, %add3A_490] : memref<32x1000xi32, #tpu.memory_space<vmem>>[vector<16xi32>, vector<16xi32>], vector<16xi32>,
      %gather3A_492 = tpu.vector_load_idx %arg7[%broadcast_in_dim3A_22, %gather3A_491] : memref<32x1024xf32, #tpu.memory_space<vmem>>[vector<16xi32>, vector<16xi32>], vector<16xf32>,
      %add3A_493 = arith.addf %add3A_487, %gather3A_492 : vector<16xf32>
      %add3A_494 = arith.constant 224 : i32
      %add3A_495 = vector.broadcast %add3A_494 : i32 to vector<16xi32>
      %add3A_496 = arith.addi %iota3A, %add3A_495 : vector<16xi32>
      %gather3A_497 = tpu.vector_load_idx %arg8[%broadcast_in_dim3A_22, %add3A_496] : memref<32x1000xi32, #tpu.memory_space<vmem>>[vector<16xi32>, vector<16xi32>], vector<16xi32>,
      %gather3A_498 = tpu.vector_load_idx %arg7[%broadcast_in_dim3A_22, %gather3A_497] : memref<32x1024xf32, #tpu.memory_space<vmem>>[vector<16xi32>, vector<16xi32>], vector<16xf32>,
      %add3A_499 = arith.addf %add3A_493, %gather3A_498 : vector<16xf32>
      %add3A_500 = arith.constant 240 : i32
      %add3A_501 = vector.broadcast %add3A_500 : i32 to vector<16xi32>
      %add3A_502 = arith.addi %iota3A, %add3A_501 : vector<16xi32>
      %gather3A_503 = tpu.vector_load_idx %arg8[%broadcast_in_dim3A_22, %add3A_502] : memref<32x1000xi32, #tpu.memory_space<vmem>>[vector<16xi32>, vector<16xi32>], vector<16xi32>,
      %gather3A_504 = tpu.vector_load_idx %arg7[%broadcast_in_dim3A_22, %gather3A_503] : memref<32x1024xf32, #tpu.memory_space<vmem>>[vector<16xi32>, vector<16xi32>], vector<16xf32>,
      %add3A_505 = arith.addf %add3A_499, %gather3A_504 : vector<16xf32>
      %add3A_506 = arith.constant 256 : i32
      %add3A_507 = vector.broadcast %add3A_506 : i32 to vector<16xi32>
      %add3A_508 = arith.addi %iota3A, %add3A_507 : vector<16xi32>
      %gather3A_509 = tpu.vector_load_idx %arg8[%broadcast_in_dim3A_22, %add3A_508] : memref<32x1000xi32, #tpu.memory_space<vmem>>[vector<16xi32>, vector<16xi32>], vector<16xi32>,
      %gather3A_510 = tpu.vector_load_idx %arg7[%broadcast_in_dim3A_22, %gather3A_509] : memref<32x1024xf32, #tpu.memory_space<vmem>>[vector<16xi32>, vector<16xi32>], vector<16xf32>,
      %add3A_511 = arith.addf %add3A_505, %gather3A_510 : vector<16xf32>
      %add3A_512 = arith.constant 272 : i32
      %add3A_513 = vector.broadcast %add3A_512 : i32 to vector<16xi32>
      %add3A_514 = arith.addi %iota3A, %add3A_513 : vector<16xi32>
      %gather3A_515 = tpu.vector_load_idx %arg8[%broadcast_in_dim3A_22, %add3A_514] : memref<32x1000xi32, #tpu.memory_space<vmem>>[vector<16xi32>, vector<16xi32>], vector<16xi32>,
      %gather3A_516 = tpu.vector_load_idx %arg7[%broadcast_in_dim3A_22, %gather3A_515] : memref<32x1024xf32, #tpu.memory_space<vmem>>[vector<16xi32>, vector<16xi32>], vector<16xf32>,
      %add3A_517 = arith.addf %add3A_511, %gather3A_516 : vector<16xf32>
      %add3A_518 = arith.constant 288 : i32
      %add3A_519 = vector.broadcast %add3A_518 : i32 to vector<16xi32>
      %add3A_520 = arith.addi %iota3A, %add3A_519 : vector<16xi32>
      %gather3A_521 = tpu.vector_load_idx %arg8[%broadcast_in_dim3A_22, %add3A_520] : memref<32x1000xi32, #tpu.memory_space<vmem>>[vector<16xi32>, vector<16xi32>], vector<16xi32>,
      %gather3A_522 = tpu.vector_load_idx %arg7[%broadcast_in_dim3A_22, %gather3A_521] : memref<32x1024xf32, #tpu.memory_space<vmem>>[vector<16xi32>, vector<16xi32>], vector<16xf32>,
      %add3A_523 = arith.addf %add3A_517, %gather3A_522 : vector<16xf32>
      %add3A_524 = arith.constant 304 : i32
      %add3A_525 = vector.broadcast %add3A_524 : i32 to vector<16xi32>
      %add3A_526 = arith.addi %iota3A, %add3A_525 : vector<16xi32>
      %gather3A_527 = tpu.vector_load_idx %arg8[%broadcast_in_dim3A_22, %add3A_526] : memref<32x1000xi32, #tpu.memory_space<vmem>>[vector<16xi32>, vector<16xi32>], vector<16xi32>,
      %gather3A_528 = tpu.vector_load_idx %arg7[%broadcast_in_dim3A_22, %gather3A_527] : memref<32x1024xf32, #tpu.memory_space<vmem>>[vector<16xi32>, vector<16xi32>], vector<16xf32>,
      %add3A_529 = arith.addf %add3A_523, %gather3A_528 : vector<16xf32>
      %add3A_530 = arith.constant 320 : i32
      %add3A_531 = vector.broadcast %add3A_530 : i32 to vector<16xi32>
      %add3A_532 = arith.addi %iota3A, %add3A_531 : vector<16xi32>
      %gather3A_533 = tpu.vector_load_idx %arg8[%broadcast_in_dim3A_22, %add3A_532] : memref<32x1000xi32, #tpu.memory_space<vmem>>[vector<16xi32>, vector<16xi32>], vector<16xi32>,
      %gather3A_534 = tpu.vector_load_idx %arg7[%broadcast_in_dim3A_22, %gather3A_533] : memref<32x1024xf32, #tpu.memory_space<vmem>>[vector<16xi32>, vector<16xi32>], vector<16xf32>,
      %add3A_535 = arith.addf %add3A_529, %gather3A_534 : vector<16xf32>
      %add3A_536 = arith.constant 336 : i32
      %add3A_537 = vector.broadcast %add3A_536 : i32 to vector<16xi32>
      %add3A_538 = arith.addi %iota3A, %add3A_537 : vector<16xi32>
      %gather3A_539 = tpu.vector_load_idx %arg8[%broadcast_in_dim3A_22, %add3A_538] : memref<32x1000xi32, #tpu.memory_space<vmem>>[vector<16xi32>, vector<16xi32>], vector<16xi32>,
      %gather3A_540 = tpu.vector_load_idx %arg7[%broadcast_in_dim3A_22, %gather3A_539] : memref<32x1024xf32, #tpu.memory_space<vmem>>[vector<16xi32>, vector<16xi32>], vector<16xf32>,
      %add3A_541 = arith.addf %add3A_535, %gather3A_540 : vector<16xf32>
      %add3A_542 = arith.constant 352 : i32
      %add3A_543 = vector.broadcast %add3A_542 : i32 to vector<16xi32>
      %add3A_544 = arith.addi %iota3A, %add3A_543 : vector<16xi32>
      %gather3A_545 = tpu.vector_load_idx %arg8[%broadcast_in_dim3A_22, %add3A_544] : memref<32x1000xi32, #tpu.memory_space<vmem>>[vector<16xi32>, vector<16xi32>], vector<16xi32>,
      %gather3A_546 = tpu.vector_load_idx %arg7[%broadcast_in_dim3A_22, %gather3A_545] : memref<32x1024xf32, #tpu.memory_space<vmem>>[vector<16xi32>, vector<16xi32>], vector<16xf32>,
      %add3A_547 = arith.addf %add3A_541, %gather3A_546 : vector<16xf32>
      %add3A_548 = arith.constant 368 : i32
      %add3A_549 = vector.broadcast %add3A_548 : i32 to vector<16xi32>
      %add3A_550 = arith.addi %iota3A, %add3A_549 : vector<16xi32>
      %gather3A_551 = tpu.vector_load_idx %arg8[%broadcast_in_dim3A_22, %add3A_550] : memref<32x1000xi32, #tpu.memory_space<vmem>>[vector<16xi32>, vector<16xi32>], vector<16xi32>,
      %gather3A_552 = tpu.vector_load_idx %arg7[%broadcast_in_dim3A_22, %gather3A_551] : memref<32x1024xf32, #tpu.memory_space<vmem>>[vector<16xi32>, vector<16xi32>], vector<16xf32>,
      %add3A_553 = arith.addf %add3A_547, %gather3A_552 : vector<16xf32>
      %add3A_554 = arith.constant 384 : i32
      %add3A_555 = vector.broadcast %add3A_554 : i32 to vector<16xi32>
      %add3A_556 = arith.addi %iota3A, %add3A_555 : vector<16xi32>
      %gather3A_557 = tpu.vector_load_idx %arg8[%broadcast_in_dim3A_22, %add3A_556] : memref<32x1000xi32, #tpu.memory_space<vmem>>[vector<16xi32>, vector<16xi32>], vector<16xi32>,
      %gather3A_558 = tpu.vector_load_idx %arg7[%broadcast_in_dim3A_22, %gather3A_557] : memref<32x1024xf32, #tpu.memory_space<vmem>>[vector<16xi32>, vector<16xi32>], vector<16xf32>,
      %add3A_559 = arith.addf %add3A_553, %gather3A_558 : vector<16xf32>
      %add3A_560 = arith.constant 400 : i32
      %add3A_561 = vector.broadcast %add3A_560 : i32 to vector<16xi32>
      %add3A_562 = arith.addi %iota3A, %add3A_561 : vector<16xi32>
      %gather3A_563 = tpu.vector_load_idx %arg8[%broadcast_in_dim3A_22, %add3A_562] : memref<32x1000xi32, #tpu.memory_space<vmem>>[vector<16xi32>, vector<16xi32>], vector<16xi32>,
      %gather3A_564 = tpu.vector_load_idx %arg7[%broadcast_in_dim3A_22, %gather3A_563] : memref<32x1024xf32, #tpu.memory_space<vmem>>[vector<16xi32>, vector<16xi32>], vector<16xf32>,
      %add3A_565 = arith.addf %add3A_559, %gather3A_564 : vector<16xf32>
      %add3A_566 = arith.constant 416 : i32
      %add3A_567 = vector.broadcast %add3A_566 : i32 to vector<16xi32>
      %add3A_568 = arith.addi %iota3A, %add3A_567 : vector<16xi32>
      %gather3A_569 = tpu.vector_load_idx %arg8[%broadcast_in_dim3A_22, %add3A_568] : memref<32x1000xi32, #tpu.memory_space<vmem>>[vector<16xi32>, vector<16xi32>], vector<16xi32>,
      %gather3A_570 = tpu.vector_load_idx %arg7[%broadcast_in_dim3A_22, %gather3A_569] : memref<32x1024xf32, #tpu.memory_space<vmem>>[vector<16xi32>, vector<16xi32>], vector<16xf32>,
      %add3A_571 = arith.addf %add3A_565, %gather3A_570 : vector<16xf32>
      %add3A_572 = arith.constant 432 : i32
      %add3A_573 = vector.broadcast %add3A_572 : i32 to vector<16xi32>
      %add3A_574 = arith.addi %iota3A, %add3A_573 : vector<16xi32>
      %gather3A_575 = tpu.vector_load_idx %arg8[%broadcast_in_dim3A_22, %add3A_574] : memref<32x1000xi32, #tpu.memory_space<vmem>>[vector<16xi32>, vector<16xi32>], vector<16xi32>,
      %gather3A_576 = tpu.vector_load_idx %arg7[%broadcast_in_dim3A_22, %gather3A_575] : memref<32x1024xf32, #tpu.memory_space<vmem>>[vector<16xi32>, vector<16xi32>], vector<16xf32>,
      %add3A_577 = arith.addf %add3A_571, %gather3A_576 : vector<16xf32>
      %add3A_578 = arith.constant 448 : i32
      %add3A_579 = vector.broadcast %add3A_578 : i32 to vector<16xi32>
      %add3A_580 = arith.addi %iota3A, %add3A_579 : vector<16xi32>
      %gather3A_581 = tpu.vector_load_idx %arg8[%broadcast_in_dim3A_22, %add3A_580] : memref<32x1000xi32, #tpu.memory_space<vmem>>[vector<16xi32>, vector<16xi32>], vector<16xi32>,
      %gather3A_582 = tpu.vector_load_idx %arg7[%broadcast_in_dim3A_22, %gather3A_581] : memref<32x1024xf32, #tpu.memory_space<vmem>>[vector<16xi32>, vector<16xi32>], vector<16xf32>,
      %add3A_583 = arith.addf %add3A_577, %gather3A_582 : vector<16xf32>
      %add3A_584 = arith.constant 464 : i32
      %add3A_585 = vector.broadcast %add3A_584 : i32 to vector<16xi32>
      %add3A_586 = arith.addi %iota3A, %add3A_585 : vector<16xi32>
      %gather3A_587 = tpu.vector_load_idx %arg8[%broadcast_in_dim3A_22, %add3A_586] : memref<32x1000xi32, #tpu.memory_space<vmem>>[vector<16xi32>, vector<16xi32>], vector<16xi32>,
      %gather3A_588 = tpu.vector_load_idx %arg7[%broadcast_in_dim3A_22, %gather3A_587] : memref<32x1024xf32, #tpu.memory_space<vmem>>[vector<16xi32>, vector<16xi32>], vector<16xf32>,
      %add3A_589 = arith.addf %add3A_583, %gather3A_588 : vector<16xf32>
      %add3A_590 = arith.constant 480 : i32
      %add3A_591 = vector.broadcast %add3A_590 : i32 to vector<16xi32>
      %add3A_592 = arith.addi %iota3A, %add3A_591 : vector<16xi32>
      %gather3A_593 = tpu.vector_load_idx %arg8[%broadcast_in_dim3A_22, %add3A_592] : memref<32x1000xi32, #tpu.memory_space<vmem>>[vector<16xi32>, vector<16xi32>], vector<16xi32>,
      %gather3A_594 = tpu.vector_load_idx %arg7[%broadcast_in_dim3A_22, %gather3A_593] : memref<32x1024xf32, #tpu.memory_space<vmem>>[vector<16xi32>, vector<16xi32>], vector<16xf32>,
      %add3A_595 = arith.addf %add3A_589, %gather3A_594 : vector<16xf32>
      %add3A_596 = arith.constant 496 : i32
      %add3A_597 = vector.broadcast %add3A_596 : i32 to vector<16xi32>
      %add3A_598 = arith.addi %iota3A, %add3A_597 : vector<16xi32>
      %gather3A_599 = tpu.vector_load_idx %arg8[%broadcast_in_dim3A_22, %add3A_598] : memref<32x1000xi32, #tpu.memory_space<vmem>>[vector<16xi32>, vector<16xi32>], vector<16xi32>,
      %gather3A_600 = tpu.vector_load_idx %arg7[%broadcast_in_dim3A_22, %gather3A_599] : memref<32x1024xf32, #tpu.memory_space<vmem>>[vector<16xi32>, vector<16xi32>], vector<16xf32>,
      %add3A_601 = arith.addf %add3A_595, %gather3A_600 : vector<16xf32>
      %add3A_602 = arith.constant 512 : i32
      %add3A_603 = vector.broadcast %add3A_602 : i32 to vector<16xi32>
      %add3A_604 = arith.addi %iota3A, %add3A_603 : vector<16xi32>
      %gather3A_605 = tpu.vector_load_idx %arg8[%broadcast_in_dim3A_22, %add3A_604] : memref<32x1000xi32, #tpu.memory_space<vmem>>[vector<16xi32>, vector<16xi32>], vector<16xi32>,
      %gather3A_606 = tpu.vector_load_idx %arg7[%broadcast_in_dim3A_22, %gather3A_605] : memref<32x1024xf32, #tpu.memory_space<vmem>>[vector<16xi32>, vector<16xi32>], vector<16xf32>,
      %add3A_607 = arith.addf %add3A_601, %gather3A_606 : vector<16xf32>
      %add3A_608 = arith.constant 528 : i32
      %add3A_609 = vector.broadcast %add3A_608 : i32 to vector<16xi32>
      %add3A_610 = arith.addi %iota3A, %add3A_609 : vector<16xi32>
      %gather3A_611 = tpu.vector_load_idx %arg8[%broadcast_in_dim3A_22, %add3A_610] : memref<32x1000xi32, #tpu.memory_space<vmem>>[vector<16xi32>, vector<16xi32>], vector<16xi32>,
      %gather3A_612 = tpu.vector_load_idx %arg7[%broadcast_in_dim3A_22, %gather3A_611] : memref<32x1024xf32, #tpu.memory_space<vmem>>[vector<16xi32>, vector<16xi32>], vector<16xf32>,
      %add3A_613 = arith.addf %add3A_607, %gather3A_612 : vector<16xf32>
      %add3A_614 = arith.constant 544 : i32
      %add3A_615 = vector.broadcast %add3A_614 : i32 to vector<16xi32>
      %add3A_616 = arith.addi %iota3A, %add3A_615 : vector<16xi32>
      %gather3A_617 = tpu.vector_load_idx %arg8[%broadcast_in_dim3A_22, %add3A_616] : memref<32x1000xi32, #tpu.memory_space<vmem>>[vector<16xi32>, vector<16xi32>], vector<16xi32>,
      %gather3A_618 = tpu.vector_load_idx %arg7[%broadcast_in_dim3A_22, %gather3A_617] : memref<32x1024xf32, #tpu.memory_space<vmem>>[vector<16xi32>, vector<16xi32>], vector<16xf32>,
      %add3A_619 = arith.addf %add3A_613, %gather3A_618 : vector<16xf32>
      %add3A_620 = arith.constant 560 : i32
      %add3A_621 = vector.broadcast %add3A_620 : i32 to vector<16xi32>
      %add3A_622 = arith.addi %iota3A, %add3A_621 : vector<16xi32>
      %gather3A_623 = tpu.vector_load_idx %arg8[%broadcast_in_dim3A_22, %add3A_622] : memref<32x1000xi32, #tpu.memory_space<vmem>>[vector<16xi32>, vector<16xi32>], vector<16xi32>,
      %gather3A_624 = tpu.vector_load_idx %arg7[%broadcast_in_dim3A_22, %gather3A_623] : memref<32x1024xf32, #tpu.memory_space<vmem>>[vector<16xi32>, vector<16xi32>], vector<16xf32>,
      %add3A_625 = arith.addf %add3A_619, %gather3A_624 : vector<16xf32>
      %add3A_626 = arith.constant 576 : i32
      %add3A_627 = vector.broadcast %add3A_626 : i32 to vector<16xi32>
      %add3A_628 = arith.addi %iota3A, %add3A_627 : vector<16xi32>
      %gather3A_629 = tpu.vector_load_idx %arg8[%broadcast_in_dim3A_22, %add3A_628] : memref<32x1000xi32, #tpu.memory_space<vmem>>[vector<16xi32>, vector<16xi32>], vector<16xi32>,
      %gather3A_630 = tpu.vector_load_idx %arg7[%broadcast_in_dim3A_22, %gather3A_629] : memref<32x1024xf32, #tpu.memory_space<vmem>>[vector<16xi32>, vector<16xi32>], vector<16xf32>,
      %add3A_631 = arith.addf %add3A_625, %gather3A_630 : vector<16xf32>
      %add3A_632 = arith.constant 592 : i32
      %add3A_633 = vector.broadcast %add3A_632 : i32 to vector<16xi32>
      %add3A_634 = arith.addi %iota3A, %add3A_633 : vector<16xi32>
      %gather3A_635 = tpu.vector_load_idx %arg8[%broadcast_in_dim3A_22, %add3A_634] : memref<32x1000xi32, #tpu.memory_space<vmem>>[vector<16xi32>, vector<16xi32>], vector<16xi32>,
      %gather3A_636 = tpu.vector_load_idx %arg7[%broadcast_in_dim3A_22, %gather3A_635] : memref<32x1024xf32, #tpu.memory_space<vmem>>[vector<16xi32>, vector<16xi32>], vector<16xf32>,
      %add3A_637 = arith.addf %add3A_631, %gather3A_636 : vector<16xf32>
      %add3A_638 = arith.constant 608 : i32
      %add3A_639 = vector.broadcast %add3A_638 : i32 to vector<16xi32>
      %add3A_640 = arith.addi %iota3A, %add3A_639 : vector<16xi32>
      %gather3A_641 = tpu.vector_load_idx %arg8[%broadcast_in_dim3A_22, %add3A_640] : memref<32x1000xi32, #tpu.memory_space<vmem>>[vector<16xi32>, vector<16xi32>], vector<16xi32>,
      %gather3A_642 = tpu.vector_load_idx %arg7[%broadcast_in_dim3A_22, %gather3A_641] : memref<32x1024xf32, #tpu.memory_space<vmem>>[vector<16xi32>, vector<16xi32>], vector<16xf32>,
      %add3A_643 = arith.addf %add3A_637, %gather3A_642 : vector<16xf32>
      %add3A_644 = arith.constant 624 : i32
      %add3A_645 = vector.broadcast %add3A_644 : i32 to vector<16xi32>
      %add3A_646 = arith.addi %iota3A, %add3A_645 : vector<16xi32>
      %gather3A_647 = tpu.vector_load_idx %arg8[%broadcast_in_dim3A_22, %add3A_646] : memref<32x1000xi32, #tpu.memory_space<vmem>>[vector<16xi32>, vector<16xi32>], vector<16xi32>,
      %gather3A_648 = tpu.vector_load_idx %arg7[%broadcast_in_dim3A_22, %gather3A_647] : memref<32x1024xf32, #tpu.memory_space<vmem>>[vector<16xi32>, vector<16xi32>], vector<16xf32>,
      %add3A_649 = arith.addf %add3A_643, %gather3A_648 : vector<16xf32>
      %add3A_650 = arith.constant 640 : i32
      %add3A_651 = vector.broadcast %add3A_650 : i32 to vector<16xi32>
      %add3A_652 = arith.addi %iota3A, %add3A_651 : vector<16xi32>
      %gather3A_653 = tpu.vector_load_idx %arg8[%broadcast_in_dim3A_22, %add3A_652] : memref<32x1000xi32, #tpu.memory_space<vmem>>[vector<16xi32>, vector<16xi32>], vector<16xi32>,
      %gather3A_654 = tpu.vector_load_idx %arg7[%broadcast_in_dim3A_22, %gather3A_653] : memref<32x1024xf32, #tpu.memory_space<vmem>>[vector<16xi32>, vector<16xi32>], vector<16xf32>,
      %add3A_655 = arith.addf %add3A_649, %gather3A_654 : vector<16xf32>
      %add3A_656 = arith.constant 656 : i32
      %add3A_657 = vector.broadcast %add3A_656 : i32 to vector<16xi32>
      %add3A_658 = arith.addi %iota3A, %add3A_657 : vector<16xi32>
      %gather3A_659 = tpu.vector_load_idx %arg8[%broadcast_in_dim3A_22, %add3A_658] : memref<32x1000xi32, #tpu.memory_space<vmem>>[vector<16xi32>, vector<16xi32>], vector<16xi32>,
      %gather3A_660 = tpu.vector_load_idx %arg7[%broadcast_in_dim3A_22, %gather3A_659] : memref<32x1024xf32, #tpu.memory_space<vmem>>[vector<16xi32>, vector<16xi32>], vector<16xf32>,
      %add3A_661 = arith.addf %add3A_655, %gather3A_660 : vector<16xf32>
      %add3A_662 = arith.constant 672 : i32
      %add3A_663 = vector.broadcast %add3A_662 : i32 to vector<16xi32>
      %add3A_664 = arith.addi %iota3A, %add3A_663 : vector<16xi32>
      %gather3A_665 = tpu.vector_load_idx %arg8[%broadcast_in_dim3A_22, %add3A_664] : memref<32x1000xi32, #tpu.memory_space<vmem>>[vector<16xi32>, vector<16xi32>], vector<16xi32>,
      %gather3A_666 = tpu.vector_load_idx %arg7[%broadcast_in_dim3A_22, %gather3A_665] : memref<32x1024xf32, #tpu.memory_space<vmem>>[vector<16xi32>, vector<16xi32>], vector<16xf32>,
      %add3A_667 = arith.addf %add3A_661, %gather3A_666 : vector<16xf32>
      %add3A_668 = arith.constant 688 : i32
      %add3A_669 = vector.broadcast %add3A_668 : i32 to vector<16xi32>
      %add3A_670 = arith.addi %iota3A, %add3A_669 : vector<16xi32>
      %gather3A_671 = tpu.vector_load_idx %arg8[%broadcast_in_dim3A_22, %add3A_670] : memref<32x1000xi32, #tpu.memory_space<vmem>>[vector<16xi32>, vector<16xi32>], vector<16xi32>,
      %gather3A_672 = tpu.vector_load_idx %arg7[%broadcast_in_dim3A_22, %gather3A_671] : memref<32x1024xf32, #tpu.memory_space<vmem>>[vector<16xi32>, vector<16xi32>], vector<16xf32>,
      %add3A_673 = arith.addf %add3A_667, %gather3A_672 : vector<16xf32>
      %add3A_674 = arith.constant 704 : i32
      %add3A_675 = vector.broadcast %add3A_674 : i32 to vector<16xi32>
      %add3A_676 = arith.addi %iota3A, %add3A_675 : vector<16xi32>
      %gather3A_677 = tpu.vector_load_idx %arg8[%broadcast_in_dim3A_22, %add3A_676] : memref<32x1000xi32, #tpu.memory_space<vmem>>[vector<16xi32>, vector<16xi32>], vector<16xi32>,
      %gather3A_678 = tpu.vector_load_idx %arg7[%broadcast_in_dim3A_22, %gather3A_677] : memref<32x1024xf32, #tpu.memory_space<vmem>>[vector<16xi32>, vector<16xi32>], vector<16xf32>,
      %add3A_679 = arith.addf %add3A_673, %gather3A_678 : vector<16xf32>
      %add3A_680 = arith.constant 720 : i32
      %add3A_681 = vector.broadcast %add3A_680 : i32 to vector<16xi32>
      %add3A_682 = arith.addi %iota3A, %add3A_681 : vector<16xi32>
      %gather3A_683 = tpu.vector_load_idx %arg8[%broadcast_in_dim3A_22, %add3A_682] : memref<32x1000xi32, #tpu.memory_space<vmem>>[vector<16xi32>, vector<16xi32>], vector<16xi32>,
      %gather3A_684 = tpu.vector_load_idx %arg7[%broadcast_in_dim3A_22, %gather3A_683] : memref<32x1024xf32, #tpu.memory_space<vmem>>[vector<16xi32>, vector<16xi32>], vector<16xf32>,
      %add3A_685 = arith.addf %add3A_679, %gather3A_684 : vector<16xf32>
      %add3A_686 = arith.constant 736 : i32
      %add3A_687 = vector.broadcast %add3A_686 : i32 to vector<16xi32>
      %add3A_688 = arith.addi %iota3A, %add3A_687 : vector<16xi32>
      %gather3A_689 = tpu.vector_load_idx %arg8[%broadcast_in_dim3A_22, %add3A_688] : memref<32x1000xi32, #tpu.memory_space<vmem>>[vector<16xi32>, vector<16xi32>], vector<16xi32>,
      %gather3A_690 = tpu.vector_load_idx %arg7[%broadcast_in_dim3A_22, %gather3A_689] : memref<32x1024xf32, #tpu.memory_space<vmem>>[vector<16xi32>, vector<16xi32>], vector<16xf32>,
      %add3A_691 = arith.addf %add3A_685, %gather3A_690 : vector<16xf32>
      %add3A_692 = arith.constant 752 : i32
      %add3A_693 = vector.broadcast %add3A_692 : i32 to vector<16xi32>
      %add3A_694 = arith.addi %iota3A, %add3A_693 : vector<16xi32>
      %gather3A_695 = tpu.vector_load_idx %arg8[%broadcast_in_dim3A_22, %add3A_694] : memref<32x1000xi32, #tpu.memory_space<vmem>>[vector<16xi32>, vector<16xi32>], vector<16xi32>,
      %gather3A_696 = tpu.vector_load_idx %arg7[%broadcast_in_dim3A_22, %gather3A_695] : memref<32x1024xf32, #tpu.memory_space<vmem>>[vector<16xi32>, vector<16xi32>], vector<16xf32>,
      %add3A_697 = arith.addf %add3A_691, %gather3A_696 : vector<16xf32>
      %add3A_698 = arith.constant 768 : i32
      %add3A_699 = vector.broadcast %add3A_698 : i32 to vector<16xi32>
      %add3A_700 = arith.addi %iota3A, %add3A_699 : vector<16xi32>
      %gather3A_701 = tpu.vector_load_idx %arg8[%broadcast_in_dim3A_22, %add3A_700] : memref<32x1000xi32, #tpu.memory_space<vmem>>[vector<16xi32>, vector<16xi32>], vector<16xi32>,
      %gather3A_702 = tpu.vector_load_idx %arg7[%broadcast_in_dim3A_22, %gather3A_701] : memref<32x1024xf32, #tpu.memory_space<vmem>>[vector<16xi32>, vector<16xi32>], vector<16xf32>,
      %add3A_703 = arith.addf %add3A_697, %gather3A_702 : vector<16xf32>
      %add3A_704 = arith.constant 784 : i32
      %add3A_705 = vector.broadcast %add3A_704 : i32 to vector<16xi32>
      %add3A_706 = arith.addi %iota3A, %add3A_705 : vector<16xi32>
      %gather3A_707 = tpu.vector_load_idx %arg8[%broadcast_in_dim3A_22, %add3A_706] : memref<32x1000xi32, #tpu.memory_space<vmem>>[vector<16xi32>, vector<16xi32>], vector<16xi32>,
      %gather3A_708 = tpu.vector_load_idx %arg7[%broadcast_in_dim3A_22, %gather3A_707] : memref<32x1024xf32, #tpu.memory_space<vmem>>[vector<16xi32>, vector<16xi32>], vector<16xf32>,
      %add3A_709 = arith.addf %add3A_703, %gather3A_708 : vector<16xf32>
      %add3A_710 = arith.constant 800 : i32
      %add3A_711 = vector.broadcast %add3A_710 : i32 to vector<16xi32>
      %add3A_712 = arith.addi %iota3A, %add3A_711 : vector<16xi32>
      %gather3A_713 = tpu.vector_load_idx %arg8[%broadcast_in_dim3A_22, %add3A_712] : memref<32x1000xi32, #tpu.memory_space<vmem>>[vector<16xi32>, vector<16xi32>], vector<16xi32>,
      %gather3A_714 = tpu.vector_load_idx %arg7[%broadcast_in_dim3A_22, %gather3A_713] : memref<32x1024xf32, #tpu.memory_space<vmem>>[vector<16xi32>, vector<16xi32>], vector<16xf32>,
      %add3A_715 = arith.addf %add3A_709, %gather3A_714 : vector<16xf32>
      %add3A_716 = arith.constant 816 : i32
      %add3A_717 = vector.broadcast %add3A_716 : i32 to vector<16xi32>
      %add3A_718 = arith.addi %iota3A, %add3A_717 : vector<16xi32>
      %gather3A_719 = tpu.vector_load_idx %arg8[%broadcast_in_dim3A_22, %add3A_718] : memref<32x1000xi32, #tpu.memory_space<vmem>>[vector<16xi32>, vector<16xi32>], vector<16xi32>,
      %gather3A_720 = tpu.vector_load_idx %arg7[%broadcast_in_dim3A_22, %gather3A_719] : memref<32x1024xf32, #tpu.memory_space<vmem>>[vector<16xi32>, vector<16xi32>], vector<16xf32>,
      %add3A_721 = arith.addf %add3A_715, %gather3A_720 : vector<16xf32>
      %add3A_722 = arith.constant 832 : i32
      %add3A_723 = vector.broadcast %add3A_722 : i32 to vector<16xi32>
      %add3A_724 = arith.addi %iota3A, %add3A_723 : vector<16xi32>
      %gather3A_725 = tpu.vector_load_idx %arg8[%broadcast_in_dim3A_22, %add3A_724] : memref<32x1000xi32, #tpu.memory_space<vmem>>[vector<16xi32>, vector<16xi32>], vector<16xi32>,
      %gather3A_726 = tpu.vector_load_idx %arg7[%broadcast_in_dim3A_22, %gather3A_725] : memref<32x1024xf32, #tpu.memory_space<vmem>>[vector<16xi32>, vector<16xi32>], vector<16xf32>,
      %add3A_727 = arith.addf %add3A_721, %gather3A_726 : vector<16xf32>
      %add3A_728 = arith.constant 848 : i32
      %add3A_729 = vector.broadcast %add3A_728 : i32 to vector<16xi32>
      %add3A_730 = arith.addi %iota3A, %add3A_729 : vector<16xi32>
      %gather3A_731 = tpu.vector_load_idx %arg8[%broadcast_in_dim3A_22, %add3A_730] : memref<32x1000xi32, #tpu.memory_space<vmem>>[vector<16xi32>, vector<16xi32>], vector<16xi32>,
      %gather3A_732 = tpu.vector_load_idx %arg7[%broadcast_in_dim3A_22, %gather3A_731] : memref<32x1024xf32, #tpu.memory_space<vmem>>[vector<16xi32>, vector<16xi32>], vector<16xf32>,
      %add3A_733 = arith.addf %add3A_727, %gather3A_732 : vector<16xf32>
      %add3A_734 = arith.constant 864 : i32
      %add3A_735 = vector.broadcast %add3A_734 : i32 to vector<16xi32>
      %add3A_736 = arith.addi %iota3A, %add3A_735 : vector<16xi32>
      %gather3A_737 = tpu.vector_load_idx %arg8[%broadcast_in_dim3A_22, %add3A_736] : memref<32x1000xi32, #tpu.memory_space<vmem>>[vector<16xi32>, vector<16xi32>], vector<16xi32>,
      %gather3A_738 = tpu.vector_load_idx %arg7[%broadcast_in_dim3A_22, %gather3A_737] : memref<32x1024xf32, #tpu.memory_space<vmem>>[vector<16xi32>, vector<16xi32>], vector<16xf32>,
      %add3A_739 = arith.addf %add3A_733, %gather3A_738 : vector<16xf32>
      %add3A_740 = arith.constant 880 : i32
      %add3A_741 = vector.broadcast %add3A_740 : i32 to vector<16xi32>
      %add3A_742 = arith.addi %iota3A, %add3A_741 : vector<16xi32>
      %gather3A_743 = tpu.vector_load_idx %arg8[%broadcast_in_dim3A_22, %add3A_742] : memref<32x1000xi32, #tpu.memory_space<vmem>>[vector<16xi32>, vector<16xi32>], vector<16xi32>,
      %gather3A_744 = tpu.vector_load_idx %arg7[%broadcast_in_dim3A_22, %gather3A_743] : memref<32x1024xf32, #tpu.memory_space<vmem>>[vector<16xi32>, vector<16xi32>], vector<16xf32>,
      %add3A_745 = arith.addf %add3A_739, %gather3A_744 : vector<16xf32>
      %add3A_746 = arith.constant 896 : i32
      %add3A_747 = vector.broadcast %add3A_746 : i32 to vector<16xi32>
      %add3A_748 = arith.addi %iota3A, %add3A_747 : vector<16xi32>
      %gather3A_749 = tpu.vector_load_idx %arg8[%broadcast_in_dim3A_22, %add3A_748] : memref<32x1000xi32, #tpu.memory_space<vmem>>[vector<16xi32>, vector<16xi32>], vector<16xi32>,
      %gather3A_750 = tpu.vector_load_idx %arg7[%broadcast_in_dim3A_22, %gather3A_749] : memref<32x1024xf32, #tpu.memory_space<vmem>>[vector<16xi32>, vector<16xi32>], vector<16xf32>,
      %add3A_751 = arith.addf %add3A_745, %gather3A_750 : vector<16xf32>
      %add3A_752 = arith.constant 912 : i32
      %add3A_753 = vector.broadcast %add3A_752 : i32 to vector<16xi32>
      %add3A_754 = arith.addi %iota3A, %add3A_753 : vector<16xi32>
      %gather3A_755 = tpu.vector_load_idx %arg8[%broadcast_in_dim3A_22, %add3A_754] : memref<32x1000xi32, #tpu.memory_space<vmem>>[vector<16xi32>, vector<16xi32>], vector<16xi32>,
      %gather3A_756 = tpu.vector_load_idx %arg7[%broadcast_in_dim3A_22, %gather3A_755] : memref<32x1024xf32, #tpu.memory_space<vmem>>[vector<16xi32>, vector<16xi32>], vector<16xf32>,
      %add3A_757 = arith.addf %add3A_751, %gather3A_756 : vector<16xf32>
      %add3A_758 = arith.constant 928 : i32
      %add3A_759 = vector.broadcast %add3A_758 : i32 to vector<16xi32>
      %add3A_760 = arith.addi %iota3A, %add3A_759 : vector<16xi32>
      %gather3A_761 = tpu.vector_load_idx %arg8[%broadcast_in_dim3A_22, %add3A_760] : memref<32x1000xi32, #tpu.memory_space<vmem>>[vector<16xi32>, vector<16xi32>], vector<16xi32>,
      %gather3A_762 = tpu.vector_load_idx %arg7[%broadcast_in_dim3A_22, %gather3A_761] : memref<32x1024xf32, #tpu.memory_space<vmem>>[vector<16xi32>, vector<16xi32>], vector<16xf32>,
      %add3A_763 = arith.addf %add3A_757, %gather3A_762 : vector<16xf32>
      %add3A_764 = arith.constant 944 : i32
      %add3A_765 = vector.broadcast %add3A_764 : i32 to vector<16xi32>
      %add3A_766 = arith.addi %iota3A, %add3A_765 : vector<16xi32>
      %gather3A_767 = tpu.vector_load_idx %arg8[%broadcast_in_dim3A_22, %add3A_766] : memref<32x1000xi32, #tpu.memory_space<vmem>>[vector<16xi32>, vector<16xi32>], vector<16xi32>,
      %gather3A_768 = tpu.vector_load_idx %arg7[%broadcast_in_dim3A_22, %gather3A_767] : memref<32x1024xf32, #tpu.memory_space<vmem>>[vector<16xi32>, vector<16xi32>], vector<16xf32>,
      %add3A_769 = arith.addf %add3A_763, %gather3A_768 : vector<16xf32>
      %add3A_770 = arith.constant 960 : i32
      %add3A_771 = vector.broadcast %add3A_770 : i32 to vector<16xi32>
      %add3A_772 = arith.addi %iota3A, %add3A_771 : vector<16xi32>
      %gather3A_773 = tpu.vector_load_idx %arg8[%broadcast_in_dim3A_22, %add3A_772] : memref<32x1000xi32, #tpu.memory_space<vmem>>[vector<16xi32>, vector<16xi32>], vector<16xi32>,
      %gather3A_774 = tpu.vector_load_idx %arg7[%broadcast_in_dim3A_22, %gather3A_773] : memref<32x1024xf32, #tpu.memory_space<vmem>>[vector<16xi32>, vector<16xi32>], vector<16xf32>,
      %add3A_775 = arith.addf %add3A_769, %gather3A_774 : vector<16xf32>
      %add3A_776 = arith.constant 976 : i32
      %add3A_777 = vector.broadcast %add3A_776 : i32 to vector<16xi32>
      %add3A_778 = arith.addi %iota3A, %add3A_777 : vector<16xi32>
      %gather3A_779 = tpu.vector_load_idx %arg8[%broadcast_in_dim3A_22, %add3A_778] : memref<32x1000xi32, #tpu.memory_space<vmem>>[vector<16xi32>, vector<16xi32>], vector<16xi32>,
      %gather3A_780 = tpu.vector_load_idx %arg7[%broadcast_in_dim3A_22, %gather3A_779] : memref<32x1024xf32, #tpu.memory_space<vmem>>[vector<16xi32>, vector<16xi32>], vector<16xf32>,
      %add3A_781 = arith.addf %add3A_775, %gather3A_780 : vector<16xf32>
      %add3A_782 = arith.constant 992 : i32
      %add3A_783 = vector.broadcast %add3A_782 : i32 to vector<16xi32>
      %add3A_784 = arith.addi %iota3A, %add3A_783 : vector<16xi32>
      %min3A_785 = arith.constant 999 : i32
      %min3A_786 = vector.broadcast %min3A_785 : i32 to vector<16xi32>
      %min3A_787 = arith.minsi %add3A_784, %min3A_786 : vector<16xi32>
      %gather3A_788 = tpu.vector_load_idx %arg8[%broadcast_in_dim3A_22, %min3A_787] : memref<32x1000xi32, #tpu.memory_space<vmem>>[vector<16xi32>, vector<16xi32>], vector<16xi32>,
      %gather3A_789 = tpu.vector_load_idx %arg7[%broadcast_in_dim3A_22, %gather3A_788] : memref<32x1024xf32, #tpu.memory_space<vmem>>[vector<16xi32>, vector<16xi32>], vector<16xf32>,
      %lt3A_790 = arith.constant 8 : i32
      %lt3A_791 = vector.broadcast %lt3A_790 : i32 to vector<16xi32>
      %lt3A_792 = arith.cmpi slt, %iota3A, %lt3A_791 : vector<16xi32>
      %jit3A_793 = arith.constant 0.000000e+00 : f32
      %broadcast_in_dim3A_794 = vector.broadcast %jit3A_793 : f32 to vector<16xf32>
      %select_n3A_795 = arith.select %lt3A_792, %gather3A_789, %broadcast_in_dim3A_794 : vector<16xi1>, vector<16xf32>
      %add3A_796 = arith.addf %add3A_781, %select_n3A_795 : vector<16xf32>
      tpu.vector_store_idx %arg10[%broadcast_in_dim3A_22, %iota3A], %add3A_796 : memref<32x16xf32, #tpu.memory_space<vmem>>[vector<16xi32>, vector<16xi32>], vector<16xf32>,
    }
    %scan3A_7 = arith.constant 16 : i32
    %add3A_8 = arith.constant 0 : i32
    %add3A_9 = vector.broadcast %add3A_8 : i32 to vector<16xi32>
    %add3A_10 = arith.addi %iota3A, %add3A_9 : vector<16xi32>
    %gather3A = tpu.vector_load_idx %arg9[%add3A_10] : memref<32xi32, #tpu.memory_space<vmem>>[vector<16xi32>], vector<16xi32>,
    %gather3A_11 = tpu.vector_load_idx %arg7[%add3A_10, %gather3A] : memref<32x1024xf32, #tpu.memory_space<vmem>>[vector<16xi32>, vector<16xi32>], vector<16xf32>,
    tpu.vector_store_idx %arg11[%add3A_10], %gather3A_11 : memref<32xf32, #tpu.memory_space<vmem>>[vector<16xi32>], vector<16xf32>,
    %add3A_12 = arith.constant 16 : i32
    %add3A_13 = vector.broadcast %add3A_12 : i32 to vector<16xi32>
    %add3A_14 = arith.addi %iota3A, %add3A_13 : vector<16xi32>
    %gather3A_15 = tpu.vector_load_idx %arg9[%add3A_14] : memref<32xi32, #tpu.memory_space<vmem>>[vector<16xi32>], vector<16xi32>,
    %gather3A_16 = tpu.vector_load_idx %arg7[%add3A_14, %gather3A_15] : memref<32x1024xf32, #tpu.memory_space<vmem>>[vector<16xi32>, vector<16xi32>], vector<16xf32>,
    tpu.vector_store_idx %arg11[%add3A_14], %gather3A_16 : memref<32xf32, #tpu.memory_space<vmem>>[vector<16xi32>], vector<16xf32>,
    "tpu.region"() ({
      %run_scoped3A = tpu.sem_alloc : memref<!tpu.dma_semaphore, #tpu.memory_space<semaphore_mem>>
      %dma_start3A = arith.constant 0 : i32
      %dma_start3A_17 = tpu.memref_slice %arg5[%mul3A_2, %dma_start3A] : memref<1024x16xf32, #tpu.memory_space<hbm>> -> memref<32x16xf32, #tpu.memory_space<hbm>>
      %dma_start3A_18 = arith.constant 0 : i32
      %dma_start3A_19 = tpu.memref_slice %arg5[%mul3A_2, %dma_start3A_18] : memref<1024x16xf32, #tpu.memory_space<hbm>> -> memref<32x16xf32, #tpu.memory_space<hbm>>
      tpu.enqueue_dma source(%arg10 : memref<32x16xf32, #tpu.memory_space<vmem>>) target(%dma_start3A_19 : memref<32x16xf32, #tpu.memory_space<hbm>>) target_semaphore(%run_scoped3A : memref<!tpu.dma_semaphore, #tpu.memory_space<semaphore_mem>>)
      %dma_wait3A = arith.constant 0 : i32
      %dma_wait3A_20 = tpu.memref_slice %arg5[%mul3A_2, %dma_wait3A] : memref<1024x16xf32, #tpu.memory_space<hbm>> -> memref<32x16xf32, #tpu.memory_space<hbm>>
      %dma_wait3A_21 = arith.constant 0 : i32
      %dma_wait3A_22 = tpu.memref_slice %arg5[%mul3A_2, %dma_wait3A_21] : memref<1024x16xf32, #tpu.memory_space<hbm>> -> memref<32x16xf32, #tpu.memory_space<hbm>>
      tpu.wait_dma2 semaphore(%run_scoped3A : memref<!tpu.dma_semaphore, #tpu.memory_space<semaphore_mem>>) src(%arg10 : memref<32x16xf32, #tpu.memory_space<vmem>>) dst(%dma_wait3A_22 : memref<32x16xf32, #tpu.memory_space<hbm>>)
      tpu.yield
    }) : () -> ()
    "tpu.region"() ({
      %run_scoped3A = tpu.sem_alloc : memref<!tpu.dma_semaphore, #tpu.memory_space<semaphore_mem>>
      %dma_start3A = tpu.memref_slice %arg6[%mul3A_2] : memref<1024xf32, #tpu.memory_space<hbm>> -> memref<32xf32, #tpu.memory_space<hbm>>
      %dma_start3A_17 = tpu.memref_slice %arg6[%mul3A_2] : memref<1024xf32, #tpu.memory_space<hbm>> -> memref<32xf32, #tpu.memory_space<hbm>>
      tpu.enqueue_dma source(%arg11 : memref<32xf32, #tpu.memory_space<vmem>>) target(%dma_start3A_17 : memref<32xf32, #tpu.memory_space<hbm>>) target_semaphore(%run_scoped3A : memref<!tpu.dma_semaphore, #tpu.memory_space<semaphore_mem>>)
      %dma_wait3A = tpu.memref_slice %arg6[%mul3A_2] : memref<1024xf32, #tpu.memory_space<hbm>> -> memref<32xf32, #tpu.memory_space<hbm>>
      %dma_wait3A_18 = tpu.memref_slice %arg6[%mul3A_2] : memref<1024xf32, #tpu.memory_space<hbm>> -> memref<32xf32, #tpu.memory_space<hbm>>
      tpu.wait_dma2 semaphore(%run_scoped3A : memref<!tpu.dma_semaphore, #tpu.memory_space<semaphore_mem>>) src(%arg11 : memref<32xf32, #tpu.memory_space<vmem>>) dst(%dma_wait3A_18 : memref<32xf32, #tpu.memory_space<hbm>>)
      tpu.yield
    }) : () -> ()
    return
  }
}

module attributes {stable_mosaic.version = 14 : i64} {
  func.func @_tc_scores_body(%arg0: memref<1024x1xi32, #tpu.memory_space<vmem>>, %arg1: memref<1024x64xf32, #tpu.memory_space<vmem>>, %arg2: memref<1024x64xf32, #tpu.memory_space<vmem>>, %arg3: memref<1024x1024xf32, #tpu.memory_space<vmem>>) attributes {dimension_semantics = [], scalar_prefetch = 0 : i64, scratch_operands = 0 : i64, tpu.core_type = #tpu.core_type<tc>} {
    %iota3A = tpu.iota {dimensions = array<i32: 1>} : vector<1024x1024xi32>
    %get3A = arith.constant 0 : index
    %get3A_0 = arith.constant 0 : index
    %get3A_1 = vector.load %arg0[%get3A, %get3A_0] : memref<1024x1xi32, #tpu.memory_space<vmem>>, vector<1024x1xi32>
    %eq3A = vector.broadcast %get3A_1 : vector<1024x1xi32> to vector<1024x1024xi32>
    %eq3A_2 = arith.cmpi eq, %iota3A, %eq3A : vector<1024x1024xi32>
    %jit3A = arith.constant 1.000000e+00 : f32
    %jit3A_3 = arith.constant 0.000000e+00 : f32
    %broadcast_in_dim3A = vector.broadcast %jit3A : f32 to vector<1024x1024xf32>
    %broadcast_in_dim3A_4 = vector.broadcast %jit3A_3 : f32 to vector<1024x1024xf32>
    %select_n3A = arith.select %eq3A_2, %broadcast_in_dim3A, %broadcast_in_dim3A_4 : vector<1024x1024xi1>, vector<1024x1024xf32>
    %get3A_5 = arith.constant 0 : index
    %get3A_6 = arith.constant 0 : index
    %get3A_7 = vector.load %arg1[%get3A_5, %get3A_6] : memref<1024x64xf32, #tpu.memory_space<vmem>>, vector<1024x64xf32>
    %dot_general3A = arith.constant dense<0.000000e+00> : vector<1024x64xf32>
    %dot_general3A_8 = tpu.matmul %select_n3A, %get3A_7, %dot_general3A {dimension_numbers = #tpu.dot_dimension_numbers<[1], [0], [0], [1], [0, 0, 1, 1], [], []>, transpose_lhs_hint = false} : vector<1024x1024xf32>, vector<1024x64xf32>, vector<1024x64xf32> -> vector<1024x64xf32>
    %get3A_9 = arith.constant 0 : index
    %get3A_10 = arith.constant 0 : index
    %get3A_11 = vector.load %arg2[%get3A_9, %get3A_10] : memref<1024x64xf32, #tpu.memory_space<vmem>>, vector<1024x64xf32>
    %dot_general3A_12 = arith.constant dense<0.000000e+00> : vector<1024x1024xf32>
    %dot_general3A_13 = tpu.matmul %dot_general3A_8, %get3A_11, %dot_general3A_12 {dimension_numbers = #tpu.dot_dimension_numbers<[1], [1], [0], [0], [0, 0, 1, 0], [], []>, transpose_lhs_hint = false} : vector<1024x64xf32>, vector<1024x64xf32>, vector<1024x1024xf32> -> vector<1024x1024xf32>
    %lt3A = arith.constant 1000 : i32
    %lt3A_14 = vector.broadcast %lt3A : i32 to vector<1024x1024xi32>
    %lt3A_15 = arith.cmpi slt, %iota3A, %lt3A_14 : vector<1024x1024xi32>
    %exp3A = math.exp %dot_general3A_13 : vector<1024x1024xf32>
    %jit3A_16 = arith.constant 0.000000e+00 : f32
    %broadcast_in_dim3A_17 = vector.broadcast %jit3A_16 : f32 to vector<1024x1024xf32>
    %select_n3A_18 = arith.select %lt3A_15, %exp3A, %broadcast_in_dim3A_17 : vector<1024x1024xi1>, vector<1024x1024xf32>
    %swap3A = arith.constant 0 : index
    %swap3A_19 = arith.constant 0 : index
    %swap3A_20 = vector.load %arg3[%swap3A, %swap3A_19] : memref<1024x1024xf32, #tpu.memory_space<vmem>>, vector<1024x1024xf32>
    tpu.vector_store %arg3[%swap3A, %swap3A_19], %select_n3A_18 {strides = array<i32>} : memref<1024x1024xf32, #tpu.memory_space<vmem>>, vector<1024x1024xf32>,
    return
  }
}

module attributes {stable_mosaic.version = 14 : i64} {
  func.func @_tc_loss_body(%arg0: memref<8x128xf32, #tpu.memory_space<vmem>>, %arg1: memref<1024x16xf32, #tpu.memory_space<vmem>>, %arg2: memref<1x1xf32, #tpu.memory_space<vmem>>) attributes {dimension_semantics = [], scalar_prefetch = 0 : i64, scratch_operands = 0 : i64, tpu.core_type = #tpu.core_type<tc>} {
    %get3A = arith.constant 0 : index
    %get3A_0 = arith.constant 0 : index
    %get3A_1 = vector.load %arg1[%get3A, %get3A_0] : memref<1024x16xf32, #tpu.memory_space<vmem>>, vector<1024x16xf32>
    %reduce_sum3A = arith.constant dense<0.000000e+00> : vector<1024xf32>
    %reduce_sum3A_2 = vector.multi_reduction <add>, %get3A_1, %reduce_sum3A [1] : vector<1024x16xf32> to vector<1024xf32>
    %get3A_3 = arith.constant 0 : index
    %get3A_4 = arith.constant 0 : index
    %get3A_5 = vector.load %arg0[%get3A_3, %get3A_4] : memref<8x128xf32, #tpu.memory_space<vmem>>, vector<8x128xf32>
    %log3A = math.log %get3A_5 : vector<8x128xf32>
    %reduce_sum3A_6 = vector.shape_cast %log3A : vector<8x128xf32> to vector<1x8x128xf32>
    %reduce_sum3A_7 = arith.constant dense<0.000000e+00> : vector<1xf32>
    %reduce_sum3A_8 = vector.multi_reduction <add>, %reduce_sum3A_6, %reduce_sum3A_7 [1, 2] : vector<1x8x128xf32> to vector<1xf32>
    %reduce_sum3A_9 = vector.shape_cast %reduce_sum3A_8 : vector<1xf32> to vector<1x1x1xf32>
    %reduce_sum3A_10 = vector.extract %reduce_sum3A_9[0, 0, 0] : f32 from vector<1x1x1xf32>
    %div3A = arith.constant 1.024000e+03 : f32
    %div3A_11 = arith.divf %reduce_sum3A_10, %div3A : f32
    %log3A_12 = math.log %reduce_sum3A_2 : vector<1024xf32>
    %reduce_sum3A_13 = vector.shape_cast %log3A_12 : vector<1024xf32> to vector<1x1024xf32>
    %reduce_sum3A_14 = arith.constant dense<0.000000e+00> : vector<1xf32>
    %reduce_sum3A_15 = vector.multi_reduction <add>, %reduce_sum3A_13, %reduce_sum3A_14 [1] : vector<1x1024xf32> to vector<1xf32>
    %reduce_sum3A_16 = vector.shape_cast %reduce_sum3A_15 : vector<1xf32> to vector<1x1xf32>
    %reduce_sum3A_17 = vector.extract %reduce_sum3A_16[0, 0] : f32 from vector<1x1xf32>
    %div3A_18 = arith.constant 1.024000e+03 : f32
    %div3A_19 = arith.divf %reduce_sum3A_17, %div3A_18 : f32
    %sub3A = arith.subf %div3A_11, %div3A_19 : f32
    %neg3A = arith.constant 0.000000e+00 : f32
    %neg3A_20 = arith.subf %neg3A, %sub3A : f32
    %reshape3A = vector.broadcast %neg3A_20 : f32 to vector<1x1xf32>
    %swap3A = arith.constant 0 : index
    %swap3A_21 = arith.constant 0 : index
    %swap3A_22 = vector.load %arg2[%swap3A, %swap3A_21] : memref<1x1xf32, #tpu.memory_space<vmem>>, vector<1x1xf32>
    tpu.vector_store %arg2[%swap3A, %swap3A_21], %reshape3A {strides = array<i32>} : memref<1x1xf32, #tpu.memory_space<vmem>>, vector<1x1xf32>,
    return
  }
}

</mosaic_0001>

<sc_bundles>
// kernel: kernel.5.cloned.1.call-start
scs
__scs_entry_jumppad:
0x0: {  	(pc) =	sbr.rel $0x88, $3  }
0x1: {  	(tag) =	ssettag $0x0;
	lr =	simm.s32 $0x1  }
0x2: {  	[smem:$0x3F9C] =	sst lr;
	_ =	strace $0xD0000000  }
0x3: {  	_ = 	snop  }
0x4: {  	_ = 	snop  }
0x5: {  	_ = 	snop  }
0x6: {  	_ = 	snop  }
0x7: {  	_ = 	snop  }
__scs_overlays_trampoline_lowered:
0x8: {  	[smem:$0x3FAB] =	sst s0  }
0x9: {  	[smem:$0x3FAC] =	sst s1  }
0xa: {  	[smem:$0x3FAD] =	sst s2  }
0xb: {  	[smem:$0x3FAE] =	sst s3  }
0xc: {  	[smem:$0x3FAF] =	sst s4  }
0xd: {  	[smem:$0x3FB0] =	sst s5  }
0xe: {  	[smem:$0x3FB1] =	sst s6  }
0xf: {  	[smem:$0x3FB2] =	sst s7  }
0x10: {  	[smem:$0x3FB3] =	sst s8  }
0x11: {  	[smem:$0x3FB4] =	sst s9;
	s0 =	simm.s32 @!p0 $0x0  }
0x12: {  	s1 =	sld [smem:$0x3F9A];
	s0 =	simm.s32 @p0 $0x1  }
0x13: {  	[smem:$0x3FB5] =	sst s0;
	s0 =	simm.s32 @!p1 $0x0  }
0x14: {  	s2 =	sld [smem:$0x3F99];
	s0 =	simm.s32 @p1 $0x1  }
0x15: {  	[smem:$0x3FB6] =	sst s0;
	s0 =	simm.s32 @!p2 $0x0  }
0x16: {  	s3 =	sld [smem:$0x3FDB];
	s0 =	simm.s32 @p2 $0x1  }
0x17: {  	s4 =	simm.s32 $0x1BF5;
	[smem:$0x3FB8] =	sst s0  }
0x18: {  	s0 =	sld [smem:$0x3F9B];
	_ =	swait.ge [sflag:s4], $0x0  }
0x19: {  	s7 =	sld [smem:$0x3F9C]  }
0x1a: {  	s8 =	sadd.s32 $0xFFFFE003, lr  }
0x1b: {  	s9 =	sadd.s32 $0xFFFFFEF7, lr;
	s5 =	simm.s32 $0xFFFFFFFF;
	p2 =	slt.u32 s8, $0xFFFFF086  }
0x1c: {  	p1 =	slt.u32 s9, $0xF7A;
	s5 =	simm.s32 @!p2 $0x0  }
0x1d: {  	s5 =	simm.s32 @p1 $0x1;
	p0 =	seq.s32 s7, s2  }
0x1e: {  	s7 =	smul.u32 @!p0 $0xF7A, s2;
	p2 =	seq.s32 @!p0 s5, $0x0  }
0x1f: {  	s9 =	smul.u32 $0xF7A, s1;
	s8 =	simm.s32 @!p0 $0x1BF5;
	p2 =	por !p2, p0  }
0x20: {  	[sflag:s8] =	ssyncset.s32 @!p0 $0xFFFFF086;
	s6 =	sadd.s32 @!p0 s3, s7;
	s7 =	simm.s32 @!p0 $0x108  }
0x21: {  	s3 =	sadd.s32 s3, s9;
	s6 =	sadd.s32 @!p0 $0x88, s6;
	s7 =	simm.s32 @p2 $0x1082  }
0x22: {  	[simem:s7], [sflag:s8] =	dma.local @!p0 [hbm:s6], $0xF7A  }
0x23: {  	s9 =	sor.u32 $0xD0000000, s2;
	s6 =	simm.s32 $0x108;
	_ =	swait.ge @!p0 [sflag:s8], $0x0  }
0x24: {  	s3 =	sadd.s32 $0x88, s3;
	s6 =	simm.s32 @!p1 $0x1082;
	[sflag:s4] =	ssyncset.s32 $0xFFFFF086  }
0x25: {  	[simem:s6], [sflag:s4] =	dma.local [hbm:s3], $0xF7A  }
0x26: {  	[smem:$0x3F9C] =	sst s1;
	(tag) =	ssettag s2;
	_ =	strace s9  }
0x27: {  	s1 =	sld [smem:$0x3FAC]  }
0x28: {  	s2 =	sld [smem:$0x3FAD]  }
0x29: {  	s4 =	sld [smem:$0x3FAF]  }
0x2a: {  	p0 =	seq.s32 s5, $0x0;
	s5 =	sld [smem:$0x3FB0]  }
0x2b: {  	s6 =	sld [smem:$0x3FB1]  }
0x2c: {  	s7 =	sld [smem:$0x3FB2]  }
0x2d: {  	s3 =	simm.s32 $0x108;
	s8 =	sld [smem:$0x3FB3]  }
0x2e: {  	s3 =	simm.s32 @!p0 $0x1082;
	s9 =	sld [smem:$0x3FB4]  }
0x2f: {  	lr =	sadd.s32 s0, s3;
	s0 =	sld [smem:$0x3FAB]  }
0x30: {  	s3 =	sld [smem:$0x3FAE]  }
0x31: {  	[smem:$0x3FB7] =	sst s10  }
0x32: {  	s10 =	sld [smem:$0x3FB5];
	_ =	sdelay $0x3  }
0x33: {  	p0 =	seq.s32 s10, $0x1;
	s10 =	sld [smem:$0x3FB7];
	_ =	sdelay $0x3  }
0x34: {  	[smem:$0x3FB7] =	sst s10  }
0x35: {  	s10 =	sld [smem:$0x3FB6];
	_ =	sdelay $0x3  }
0x36: {  	p1 =	seq.s32 s10, $0x1;
	s10 =	sld [smem:$0x3FB7];
	_ =	sdelay $0x3  }
0x37: {  	[smem:$0x3FB7] =	sst s10  }
0x38: {  	s10 =	sld [smem:$0x3FB8]  }
0x39: {  	_ = 	snop;
	(pc) =	sbr.ind lr, $3  }
0x3a: {  	_ = 	snop  }
0x3b: {  	_ = 	snop  }
0x3c: {  	p2 =	seq.s32 s10, $0x1;
	s10 =	sld [smem:$0x3FB7]  }
0x3d: {  	_ =	shalt  }
0x3e: {  	_ =	shalt  }
0x3f: {  	_ =	shalt  }
0x40: {  	_ =	shalt  }
0x41: {  	_ =	shalt  }
0x42: {  	_ =	shalt  }
0x43: {  	_ =	shalt  }
0x44: {  	_ =	shalt  }
0x45: {  	_ =	shalt  }
0x46: {  	_ =	shalt  }
0x47: {  	_ =	shalt  }
0x48: {  	_ =	shalt  }
0x49: {  	_ =	shalt  }
0x4a: {  	_ =	shalt  }
0x4b: {  	_ =	shalt  }
0x4c: {  	_ =	shalt  }
0x4d: {  	_ =	shalt  }
0x4e: {  	_ =	shalt  }
0x4f: {  	_ =	shalt  }
0x50: {  	_ =	shalt  }
0x51: {  	_ =	shalt  }
0x52: {  	_ =	shalt  }
0x53: {  	_ =	shalt  }
0x54: {  	_ =	shalt  }
0x55: {  	_ =	shalt  }
0x56: {  	_ =	shalt  }
0x57: {  	_ =	shalt  }
0x58: {  	_ =	shalt  }
0x59: {  	_ =	shalt  }
0x5a: {  	_ =	shalt  }
0x5b: {  	_ =	shalt  }
0x5c: {  	_ =	shalt  }
0x5d: {  	_ =	shalt  }
0x5e: {  	_ =	shalt  }
0x5f: {  	_ =	shalt  }
0x60: {  	_ =	shalt  }
0x61: {  	_ =	shalt  }
0x62: {  	_ =	shalt  }
0x63: {  	_ =	shalt  }
0x64: {  	_ =	shalt  }
0x65: {  	_ =	shalt  }
0x66: {  	_ =	shalt  }
0x67: {  	_ =	shalt  }
0x68: {  	_ =	shalt  }
0x69: {  	_ =	shalt  }
0x6a: {  	_ =	shalt  }
0x6b: {  	_ =	shalt  }
0x6c: {  	_ =	shalt  }
0x6d: {  	_ =	shalt  }
0x6e: {  	_ =	shalt  }
0x6f: {  	_ =	shalt  }
0x70: {  	_ =	shalt  }
0x71: {  	_ =	shalt  }
0x72: {  	_ =	shalt  }
0x73: {  	_ =	shalt  }
0x74: {  	_ =	shalt  }
0x75: {  	_ =	shalt  }
0x76: {  	_ =	shalt  }
0x77: {  	_ =	shalt  }
0x78: {  	_ =	shalt  }
0x79: {  	_ =	shalt  }
0x7a: {  	_ =	shalt  }
0x7b: {  	_ =	shalt  }
0x7c: {  	_ =	shalt  }
0x7d: {  	_ =	shalt  }
0x7e: {  	_ =	shalt  }
0x7f: {  	_ =	shalt  }
0x80: {  	_ =	shalt  }
0x81: {  	_ =	shalt  }
0x82: {  	_ =	shalt  }
0x83: {  	_ =	shalt  }
0x84: {  	_ =	shalt  }
0x85: {  	_ =	shalt  }
0x86: {  	_ =	shalt  }
0x87: {  	_ =	shalt  }
.Lfunc_end0:
.L_simem_size_0:
called_computation_lowered:
.L_overlay_start_0:
0x88: {  	s2 =	sld [smem:$0x3FD9]  }
0x89: {  	s3 =	sld [smem:$0x3FFE];
	_ =	sdelay $0x1  }
0x8a: {  	s1 =	srdreg.scid  }
0x8b: {  	s0 =	sand.u32 $0x1, s1  }
0x8c: {  	s17 =	sshll.u32 s0, $0xA;
	s2 =	sadd.s32 s3, s2  }
0x8d: {  	s2 =	sadd.s32 s2, s17  }
0x8e: {  	[smem:$0x3FC3] =	sst s2  }
0x8f: {  	_ = 	snop  }
0x90: {  	s2 =	sld [smem:$0x3FC8];
	(tm) =	ssettm $0x1  }
0x91: {  	s18 =	sld [smem:$0x3FFB];
	_ =	sdelay $0x3  }
0x92: {  	_ =	strace s18  }
0x93: {  	s3 =	sld [smem:$0x3FFC];
	_ =	sdelay $0x3  }
0x94: {  	_ =	strace s3  }
0x95: {  	s3 =	sld [smem:$0x3FFD];
	_ =	sdelay $0x3  }
0x96: {  	_ =	strace s3  }
0x97: {  	_ =	strace $0x8FFFFFFF  }
0x98: {  	s19 =	sld [smem:$0x3FDB];
	_ =	sdelay $0x1  }
0x99: {  	s4 =	simm.s32 $_scs_section_size  }
0x9a: {  	s5 =	simm.s32 $_size__tile_overlayer_lowered;
	s6 =	simm.s32 $_tile_overlayer_lowered  }
0x9b: {  	s22 =	simm.s32 $0x1BFF;
	s21 =	sshll.u32 s6, $0x1;
	s3 =	sadd.s32 s4, s19  }
0x9c: {  	s7 =	simm.s32 $0x0;
	s20 =	sshll.u32 s5, $0x1;
	s5 =	sadd.s32 s21, s3  }
0x9d: {  	[timem:s7], [sflag:s22] =	dma.local [hbm:s5], s20  }
0x9e: {  	_ =	swait.ge [sflag:s22], s20  }
0x9f: {  	s4 =	ssub.s32 $0x0, s20;
	[sflag:s22] =	ssyncset.done $0x0  }
0xa0: {  	[sflag:s22] =	ssyncadd.s32 s4;
	_ =	sdelay $0x1  }
0xa1: {  	s23 =	simm.s32 $0x1B8B  }
0xa2: {  	_ =	swait.ge [sflag:s23], $0x1  }
0xa3: {  	[sflag:s23] =	ssyncset.done $0x0  }
0xa4: {  	s25 =	simm.s32 $0x1B8E;
	s24 =	sld [smem:$0x3FFE];
	[sflag:s23] =	ssyncadd.s32 $0xFFFFFFFF  }
0xa5: {  	s26 =	simm.s32 $execute0_lowered;
	[smem:$0x3FD2] =	sst s25  }
0xa6: {  	s5 =	sshll.u32 s26, $0x1;
	_ =	strace $0x80000046;
	[dreg:$0x1] =	wrdreg $0xFFFFFFFF  }
0xa7: {  	s28 =	simm.s32 $_size_execute0_lowered;
	s3 =	sadd.s32 s3, s5;
	[dreg:$0x0] =	wrdreg $0x0  }
0xa8: {  	s5 =	sshll.u32 s28, $0x1;
	[dreg:$0x2] =	wrdreg s3  }
0xa9: {  	[dreg:$0x3] =	wrdreg s5  }
0xaa: {  	[dreg:$0x4] =	wrdreg $0xC0  }
0xab: {  	_ =	task [dreg:s7], $0x5FFFF  }
0xac: {  	[dreg:$0x1] =	wrdreg $0xFFFFFFFF  }
0xad: {  	[dreg:$0x0] =	wrdreg $0x60  }
0xae: {  	[dreg:$0x2] =	wrdreg s24  }
0xaf: {  	[dreg:$0x3] =	wrdreg s2  }
0xb0: {  	[dreg:$0x4] =	wrdreg $0x9  }
0xb1: {  	_ =	task.clear_ibuf [dreg:s7], $0x5FFFF;
	_ =	strace $0x90000046  }
0xb2: {  	s29 =	simm.s32 $0x9;
	_ =	strace $0x80000048  }
0xb3: {  	_ =	swait.ge [sflag:s29], $0x1  }
0xb4: {  	[sflag:s29] =	ssyncadd.s32 $0xFFFFFFFF  }
0xb5: {  	_ =	strace $0x90000048  }
0xb6: {  	_ =	sfence  }
0xb7: {  	s30 =	sld [smem:$0x0];
	_ =	sdelay $0x2  }
0xb8: {  	s31 =	sshll.u32 s1, $0xD;
	s1 =	sshrl.u32 s1, $0x2  }
0xb9: {  	s3 =	sand.u32 $0x4000, s31;
	s1 =	sadd.s32 s1, s30  }
0xba: {  	s0 =	sor.u32 s3, s0;
	s1 =	sshll.u32 s1, $0x11  }
0xbb: {  	s0 =	sor.u32 s1, s0  }
0xbc: {  	s0 =	sadd.s32 $0x8F2B, s0  }
0xbd: {  	[sflag:s0] =	ssyncadd.remote.s32 $0x1  }
0xbe: {  	_ =	sfence.sel $0xFFFF  }
0xbf: {  	[dreg:$0x0] =	wrdreg $0xFFFFFFFF;
	(pc) =	sbr.abs _section_cstart, $3  }
0xc0: {  	[dreg:$0x1] =	wrdreg $0xFFFFFFFF  }
0xc1: {  	_ =	task.clear_ibuf [dreg:s7], $0x2FFFF;
	_ =	strace $0x9FFFFFFF  }
0xc2: {  	(tm) =	ssettm $0x7FFFFFFF  }
0xc3: {  	_ =	shalt  }
tec
execute0_lowered:
.L_overlay_start_1:
0x0: {  	(tag) =	ssettag $0x1  }
0x1: {  	v6 =	vlaneseq.u32  }
0x2: {  	v2 =	vor.u32 $0x420, v6  }
0x3: {  	[tilespmem:$0x1FD80] =	vst v2;
	v2 =	vor.u32 $0x430, v6  }
0x4: {  	[tilespmem:$0x1FD90] =	vst v2;
	v2 =	vor.u32 $0x440, v6  }
0x5: {  	[tilespmem:$0x1FDA0] =	vst v2;
	v2 =	vor.u32 $0x450, v6  }
0x6: {  	[tilespmem:$0x1FDB0] =	vst v2;
	v2 =	vor.u32 $0x460, v6  }
0x7: {  	[tilespmem:$0x1FDC0] =	vst v2;
	v2 =	vor.u32 $0x470, v6  }
0x8: {  	[tilespmem:$0x1FDD0] =	vst v2;
	v2 =	vor.u32 $0x800, v6  }
0x9: {  	[tilespmem:$0x1FDE0] =	vst v2;
	v2 =	vor.u32 $0x810, v6  }
0xa: {  	vm0 =	vcmask $0x300;
	vm1 =	vcmask $0x704;
	[tilespmem:$0x1FDF0] =	vst v2;
	v2 =	vor.u32 $0x820, v6  }
0xb: {  	vm2 =	vcmask $0xB08;
	vm3 =	vcmask $0xF0C;
	[tilespmem:$0x1FE00] =	vst v2;
	v2 =	vor.u32 $0x830, v6  }
0xc: {  	v3 =	vimm.s32 $0x63626160;
	v4 =	vimm.s32 $0x67666564;
	[tilespmem:$0x1FE10] =	vst v2;
	v2 =	vor.u32 $0x840, v6  }
0xd: {  	vm4 =	vcmask $0x1310;
	vm5 =	vcmask $0xF00;
	[tilespmem:$0x1FE20] =	vst v2;
	v2 =	vor.u32 $0x850, v6  }
0xe: {  	vm15 =	vcmask $0x1F10;
	v60 =	vimm.s32 $0x2380;
	[tilespmem:$0x1FE30] =	vst v2;
	v2 =	vor.u32 $0x860, v6  }
0xf: {  	v5 =	vor.u32 $0x10, v6;
	v7 =	vor.u32 $0x20, v6;
	[tilespmem:$0x1FE40] =	vst v2;
	v2 =	vor.u32 $0x870, v6  }
0x10: {  	v10 =	vor.u32 $0x30, v6;
	v11 =	vor.u32 $0x40, v6;
	[tilespmem:$0x1FE50] =	vst v2;
	v2 =	vor.u32 $0xC00, v6  }
0x11: {  	v8 =	vor.u32 $0x50, v6;
	v12 =	vor.u32 $0x60, v6;
	[tilespmem:$0x1FE60] =	vst v2;
	v2 =	vor.u32 $0xC10, v6  }
0x12: {  	v13 =	vor.u32 $0x70, v6;
	v14 =	vor.u32 $0x400, v6;
	[tilespmem:$0x1FE70] =	vst v2;
	v2 =	vor.u32 $0xC20, v6  }
0x13: {  	v32 =	vor.u32 $0x410, v6;
	v0 =	vor.u32 $0xC70, v6;
	[tilespmem:$0x1FE80] =	vst v2;
	v2 =	vor.u32 $0xC30, v6  }
0x14: {  	v46 =	vor.u32 $0x1010, v6;
	v1 =	vor.u32 $0x1020, v6;
	[tilespmem:$0x1FE90] =	vst v2;
	v2 =	vor.u32 $0xC40, v6  }
0x15: {  	v48 =	vor.u32 $0x1030, v6;
	v49 =	vor.u32 $0x1040, v6;
	[tilespmem:$0x1FEA0] =	vst v2;
	v2 =	vor.u32 $0xC50, v6  }
0x16: {  	v50 =	vor.u32 $0x1050, v6;
	v51 =	vor.u32 $0x1060, v6;
	[tilespmem:$0x1FEB0] =	vst v2;
	v2 =	vor.u32 $0xC60, v6  }
0x17: {  	v52 =	vor.u32 $0x1070, v6;
	v3 =	vunpack.c.0.s8.s32 v3;
	[tilespmem:$0x1FEC0] =	vst v2;
	v2 =	vimm.s32 $0x1C67  }
0x18: {  	v53 =	vor.u32 $0x1400, v6;
	v4 =	vunpack.c.0.s8.s32 v4;
	v2 =	vsel vm0, $0x1C60, v2  }
0x19: {  	v54 =	vor.u32 $0x1410, v6;
	v3 =	vnsel vm5, $0x67, v3;
	v2 =	vsel vm1, $0x1C61, v2  }
0x1a: {  	v36 =	vsel vm15, v4, v3;
	v3 =	vsel vm0, $0x0, v60;
	v2 =	vsel vm2, $0x1C62, v2  }
0x1b: {  	v4 =	vimm.s32 $0x6380;
	v3 =	vsel vm1, $0x80, v3;
	v2 =	vsel vm3, $0x1C63, v2  }
0x1c: {  	v4 =	vsel vm0, $0x4000, v4;
	vm0 =	vcmask $0x1714;
	v2 =	vsel vm4, $0x1C64, v2  }
0x1d: {  	s3 =	rddreg [dreg:$0x0];
	v4 =	vsel vm1, $0x4080, v4;
	vm1 =	vcmask $0x1B18;
	v2 =	vsel vm0, $0x1C65, v2  }
0x1e: {  	s5 =	rddreg [dreg:$0x1];
	s2 =	simm.s32 $0x0;
	v55 =	vor.u32 $0x1420, v6;
	v56 =	vor.u32 $0x1430, v6;
	[tilespmem:$0x1FED0] =	vst v0;
	v0 =	vsel vm1, $0x1C66, v2  }
0x1f: {  	s1 =	srdreg.scid;
	v57 =	vor.u32 $0x1440, v6;
	v58 =	vor.u32 $0x1450, v6;
	v59 =	vor.u32 $0x1460, v6;
	[smem:$0x7FF] =	sst s2;
	[tilespmem:$0x1FEE0] =	vst v0  }
0x20: {  	v62 =	vor.u32 $0x1470, v6;
	v63 =	vor.u32 $0x1800, v6;
	v24 =	vor.u32 $0x1810, v6;
	s4 =	sand.u32 $0x1, s1;
	s1 =	rddreg [dreg:$0x2];
	_ =	strace $0x80000047;
	[tilespmem:$0x1FF10] =	vst v5  }
0x21: {  	v35 =	vor.u32 $0x1820, v6;
	v15 =	vor.u32 $0x1850, v6;
	v16 =	vor.u32 $0x1860, v6;
	[tilespmem:$0x1FF20] =	vst v10  }
0x22: {  	v17 =	vor.u32 $0x1870, v6;
	v18 =	vor.u32 $0x1C00, v6;
	v3 =	vsel vm2, $0x100, v3;
	[tilespmem:$0x1FF30] =	vst v11  }
0x23: {  	v19 =	vor.u32 $0x1C10, v6;
	v3 =	vsel vm3, $0x180, v3;
	v4 =	vsel vm2, $0x4100, v4;
	[tilespmem:$0x1FF40] =	vst v7  }
0x24: {  	v20 =	vor.u32 $0x1C20, v6;
	v3 =	vsel vm4, $0x200, v3;
	v4 =	vsel vm3, $0x4180, v4;
	[tilespmem:$0x1FF50] =	vst v8  }
0x25: {  	v21 =	vor.u32 $0x1C30, v6;
	v2 =	vsel vm0, $0x280, v3;
	v3 =	vsel vm4, $0x4200, v4;
	[tilespmem:$0x1FF60] =	vst v12  }
0x26: {  	vm2 =	vcmask $0x1F1C;
	v2 =	vsel vm1, $0x300, v2;
	v3 =	vsel vm0, $0x4280, v3;
	[tilespmem:$0x1FF70] =	vst v13  }
0x27: {  	vm0 =	vcmask $0x2320;
	v2 =	vsel vm2, $0x380, v2;
	v3 =	vsel vm1, $0x4300, v3;
	[tilespmem:$0x1FF80] =	vst v14  }
0x28: {  	s11 =	simm.s32 $0x8000;
	vm1 =	vcmask $0x2724;
	[tilespmem:$0x1FF90] =	vst v15;
	v2 =	vsel vm0, $0x2000, v2;
	v3 =	vsel vm2, $0x4380, v3  }
0x29: {  	s0 =	stileid.u32;
	s12 =	simm.s32 $0x10080;
	s13 =	simm.s32 $0x11080;
	[tilespmem:$0x1FFA0] =	vst v16;
	vm2 =	vcmask $0x2B28;
	v2 =	vsel vm1, $0x2080, v2;
	v3 =	vsel vm0, $0x6000, v3  }
0x2a: {  	s6 =	sshll.u32 s0, $0x6;
	s7 =	sshll.u32 s4, $0x5;
	s4 =	ssub.s32 $0x2, s4;
	[tilespmem:$0x1FFB0] =	vst v17;
	vm0 =	vcmask $0x2F2C;
	v2 =	vsel vm2, $0x2100, v2;
	v3 =	vsel vm1, $0x6080, v3  }
0x2b: {  	s14 =	simm.s32 $0x0;
	s6 =	sor.u32 s7, s6;
	s9 =	sshrl.u32 s4, $0x1;
	[tilespmem:$0x1FFC0] =	vst v18;
	vm1 =	vcmask $0x3330;
	v2 =	vsel vm0, $0x2180, v2;
	v3 =	vsel vm2, $0x6100, v3  }
0x2c: {  	s7 =	sshll.u32 s6, $0x7;
	s8 =	sshll.u32 s6, $0x4;
	s6 =	sshrl.u32 s6, $0x3;
	[tilespmem:$0x1FFD0] =	vst v19;
	vm2 =	vcmask $0x3734;
	v2 =	vsel vm1, $0x2200, v2;
	v3 =	vsel vm0, $0x6180, v3  }
0x2d: {  	s9 =	ssub.s32 s4, s9;
	s7 =	sadd.s32 s7, s3;
	s8 =	sadd.s32 s8, s3;
	vm3 =	vcmask $0x3B38;
	[tilespmem:$0x1FFE0] =	vst v20;
	v2 =	vsel vm2, $0x2280, v2;
	v3 =	vsel vm1, $0x6200, v3  }
0x2e: {  	v34 =	vor.u32 $0x1830, v6;
	s10 =	sadd.s32 s6, s3;
	s3 =	sadd.s32 s5, s6;
	s4 =	sadd.s32 $0x21000, s7;
	[tilespmem:$0x1FFF0] =	vst v21;
	v0 =	vsel vm3, $0x2300, v2;
	v2 =	vsel vm2, $0x6280, v3  }
0x2f: {  	v45 =	vor.u32 $0x1000, v6;
	v33 =	vor.u32 $0x1840, v6;
	s5 =	sadd.s32 $0x1000, s7;
	s6 =	sadd.s32 $0x41000, s8;
	s7 =	sadd.s32 $0x45000, s10;
	[tilespmem:$0x1FEF0] =	vst v0;
	v0 =	vsel vm3, $0x6300, v2  }
0x30: {  	v37 =	vor.u32 $0x1C40, v6;
	v38 =	vor.u32 $0x1C50, v6;
	s8 =	smax.u32 s9, $0x1;
	s9 =	simm.s32 $0x10000;
	s10 =	simm.s32 $0x1;
	vm0 =	vmmov $0xff;
	[tilespmem:$0x1FF00] =	vst v0  }
.LBB2_1:
0x31: {  	[tilespmem:s9], [sflag:$0x1] =	stream.linear.gather [hbm4b:s3+s2], $0x20, $0x38;
	[tilespmem:$0x11100] =	vst v63  }
0x32: {  	_ =	swait.ge [sflag:s10], $0x20  }
0x33: {  	[sflag:s10] =	ssyncset.done $0x0  }
0x34: {  	[sflag:s10] =	ssyncadd.s32 $0xFFFFFFE0  }
0x35: {  	[tilespmem:s2], [sflag:$0x1] =	stream.linear.gather [hbm4b:s4+s2], $0x8000, $0x38;
	[tilespmem:$0x11100] =	vst v63  }
0x36: {  	_ =	swait.ge [sflag:s10], $0x8000  }
0x37: {  	[sflag:s10] =	ssyncset.done $0x0  }
0x38: {  	[sflag:s10] =	ssyncadd.s32 $0xFFFF8000  }
0x39: {  	[tilespmem:s11], [sflag:$0x1] =	stream.linear.gather [hbm4b:s5+s2], $0x8000, $0x38;
	[tilespmem:$0x11100] =	vst v63  }
0x3a: {  	_ =	swait.ge [sflag:s10], $0x8000  }
0x3b: {  	[sflag:s10] =	ssyncset.done $0x0  }
0x3c: {  	s15 =	simm.s32 $0x0;
	[sflag:s10] =	ssyncadd.s32 $0xFFFF8000  }
.LBB2_2:
0x3d: {  	v2 =	vmov s15  }
0x3e: {  	v0 =	vld [tilespmem:$0x1FF10];
	v4 =	vshll.u32 v2, $0xA;
	v61 =	vshll.u32 v2, $0x7  }
0x3f: {  	v3 =	vand.u32 $0x6000, v4;
	v2 =	vand.u32 $0x300, v61  }
0x40: {  	v60 =	vor.u32 v2, v3  }
0x41: {  	v7 =	vld [tilespmem:$0x1FF40];
	v5 =	vor.u32 v6, v60;
	_ =	sdelay $0x1  }
0x42: {  	v6 =	vor.u32 v0, v60;
	_ =	sdelay $0x2  }
0x43: {  	v7 =	vor.u32 v7, v60;
	v5 =	vld.idx.msk [tilespmem:v5+s11+$0x0], $0xffff;
	_ =	sdelay $0x1  }
0x44: {  	v6 =	vld.idx.msk [tilespmem:v6+s11+$0x0], $0xffff;
	_ =	sdelay $0x2  }
0x45: {  	v7 =	vld.idx.msk [tilespmem:v7+s11+$0x0], $0xffff;
	v8 =	vshll.u32 v5, $0x3  }
0x46: {  	v8 =	vand.u32 $0xFFFFFC00, v8  }
0x47: {  	v5 =	vand.u32 $0x7F, v5;
	v9 =	vshll.u32 v6, $0x3;
	v8 =	vadd.s32 v3, v8  }
0x48: {  	v9 =	vand.u32 $0xFFFFFC00, v9;
	v5 =	vor.u32 v5, v8  }
0x49: {  	v6 =	vand.u32 $0x7F, v6;
	v8 =	vadd.s32 v3, v9;
	v5 =	vor.u32 v2, v5  }
0x4a: {  	v9 =	vor.u32 v10, v60;
	v10 =	vld [tilespmem:$0x1FF50];
	v6 =	vor.u32 v6, v8;
	v8 =	vshll.u32 v7, $0x3  }
0x4b: {  	v6 =	vor.u32 v2, v6;
	v8 =	vand.u32 $0xFFFFFC00, v8  }
0x4c: {  	v12 =	vld [tilespmem:$0x1FF70];
	v7 =	vand.u32 $0x7F, v7;
	v8 =	vadd.s32 v3, v8  }
0x4d: {  	v7 =	vor.u32 v7, v8;
	v8 =	vor.u32 v11, v60;
	v11 =	vld [tilespmem:$0x1FF60]  }
0x4e: {  	v7 =	vor.u32 v2, v7;
	v5 =	vld.idx.msk [tilespmem:v5+s2+$0x0], $0xffff  }
0x4f: {  	v10 =	vor.u32 v10, v60;
	v9 =	vld.idx.msk [tilespmem:v9+s11+$0x0], $0xffff  }
0x50: {  	v6 =	vld.idx.msk [tilespmem:v6+s2+$0x0], $0xffff  }
0x51: {  	v13 =	vld [tilespmem:$0x1FF80]  }
0x52: {  	v8 =	vld.idx.msk [tilespmem:v8+s11+$0x0], $0xffff;
	v11 =	vor.u32 v11, v60  }
0x53: {  	v12 =	vor.u32 v12, v60;
	v7 =	vld.idx.msk [tilespmem:v7+s2+$0x0], $0xffff;
	v5 =	vadd.f32 $0.0e+00, v5  }
0x54: {  	v10 =	vld.idx.msk [tilespmem:v10+s11+$0x0], $0xffff  }
0x55: {  	v5 =	vadd.f32 v6, v5;
	v6 =	vshll.u32 v9, $0x3  }
0x56: {  	v39 =	vld [tilespmem:$0x1FD80];
	v15 =	vor.u32 v32, v60;
	v13 =	vor.u32 v13, v60;
	v6 =	vand.u32 $0xFFFFFC00, v6  }
0x57: {  	v9 =	vand.u32 $0x7F, v9;
	v14 =	vshll.u32 v8, $0x3;
	v11 =	vld.idx.msk [tilespmem:v11+s11+$0x0], $0xffff;
	v6 =	vadd.s32 v3, v6  }
0x58: {  	v5 =	vadd.f32 v7, v5;
	v7 =	vand.u32 $0xFFFFFC00, v14;
	v6 =	vor.u32 v9, v6;
	v9 =	vld.idx.msk [tilespmem:v12+s11+$0x0], $0xffff  }
0x59: {  	v8 =	vand.u32 $0x7F, v8;
	v41 =	vshll.u32 v10, $0x3;
	v7 =	vadd.s32 v3, v7  }
0x5a: {  	v6 =	vor.u32 v2, v6;
	v7 =	vor.u32 v8, v7;
	v8 =	vand.u32 $0xFFFFFC00, v41  }
0x5b: {  	v43 =	vor.u32 v39, v60;
	v42 =	vld.idx.msk [tilespmem:v13+s11+$0x0], $0xffff;
	v10 =	vand.u32 $0x7F, v10;
	v8 =	vadd.s32 v3, v8  }
0x5c: {  	v44 =	vld.idx.msk [tilespmem:v15+s11+$0x0], $0xffff;
	v7 =	vor.u32 v2, v7;
	v8 =	vor.u32 v10, v8;
	v10 =	vshll.u32 v11, $0x3  }
0x5d: {  	v40 =	vld [tilespmem:$0x1FD90];
	v11 =	vand.u32 $0x7F, v11;
	v10 =	vand.u32 $0xFFFFFC00, v10;
	v47 =	vshll.u32 v9, $0x3  }
0x5e: {  	v25 =	vld [tilespmem:$0x1FDF0];
	v8 =	vor.u32 v2, v8;
	v10 =	vadd.s32 v3, v10;
	v15 =	vand.u32 $0xFFFFFC00, v47  }
0x5f: {  	v9 =	vand.u32 $0x7F, v9;
	v6 =	vld.idx.msk [tilespmem:v6+s2+$0x0], $0xffff;
	v10 =	vor.u32 v11, v10;
	v11 =	vadd.s32 v3, v15  }
0x60: {  	v13 =	vld.idx.msk [tilespmem:v43+s11+$0x0], $0xffff;
	v10 =	vor.u32 v2, v10;
	v9 =	vor.u32 v9, v11;
	v11 =	vshll.u32 v42, $0x3  }
0x61: {  	v18 =	vshll.u32 v44, $0x3;
	v12 =	vand.u32 $0x7F, v42;
	v7 =	vld.idx.msk [tilespmem:v7+s2+$0x0], $0xffff;
	v11 =	vand.u32 $0xFFFFFC00, v11  }
0x62: {  	v41 =	vld [tilespmem:$0x1FDA0];
	v15 =	vand.u32 $0xFFFFFC00, v18;
	v9 =	vor.u32 v2, v9;
	v11 =	vadd.s32 v3, v11  }
0x63: {  	v19 =	vand.u32 $0x7F, v44;
	v20 =	vadd.s32 v3, v15;
	v8 =	vld.idx.msk [tilespmem:v8+s2+$0x0], $0xffff;
	v11 =	vor.u32 v12, v11  }
0x64: {  	v42 =	vld [tilespmem:$0x1FDB0];
	v5 =	vadd.f32 v6, v5;
	v6 =	vor.u32 v2, v11;
	v11 =	vor.u32 v19, v20  }
0x65: {  	v21 =	vshll.u32 v13, $0x3;
	v10 =	vld.idx.msk [tilespmem:v10+s2+$0x0], $0xffff;
	v11 =	vor.u32 v2, v11  }
0x66: {  	v22 =	vor.u32 v40, v60;
	v43 =	vld [tilespmem:$0x1FDC0];
	v5 =	vadd.f32 v7, v5;
	v7 =	vand.u32 $0xFFFFFC00, v21  }
0x67: {  	v13 =	vand.u32 $0x7F, v13;
	v9 =	vld.idx.msk [tilespmem:v9+s2+$0x0], $0xffff;
	v7 =	vadd.s32 v3, v7  }
0x68: {  	v44 =	vld [tilespmem:$0x1FDD0];
	v5 =	vadd.f32 v8, v5;
	v7 =	vor.u32 v13, v7;
	v8 =	vor.u32 v41, v60  }
0x69: {  	v7 =	vor.u32 v2, v7;
	v6 =	vld.idx.msk [tilespmem:v6+s2+$0x0], $0xffff  }
0x6a: {  	v5 =	vadd.f32 v10, v5;
	v10 =	vld.idx.msk [tilespmem:v11+s2+$0x0], $0xffff;
	v11 =	vor.u32 v42, v60  }
0x6b: {  	v12 =	vld.idx.msk [tilespmem:v22+s11+$0x0], $0xffff  }
0x6c: {  	v47 =	vld [tilespmem:$0x1FDE0];
	v5 =	vadd.f32 v9, v5  }
0x6d: {  	v9 =	vor.u32 v43, v60;
	v8 =	vld.idx.msk [tilespmem:v8+s11+$0x0], $0xffff  }
0x6e: {  	v5 =	vadd.f32 v6, v5;
	v6 =	vld.idx.msk [tilespmem:v7+s2+$0x0], $0xffff;
	v7 =	vor.u32 v44, v60  }
0x6f: {  	v11 =	vld.idx.msk [tilespmem:v11+s11+$0x0], $0xffff  }
0x70: {  	v5 =	vadd.f32 v10, v5;
	v10 =	vshll.u32 v12, $0x3  }
0x71: {  	v29 =	vor.u32 v25, v60;
	v23 =	vor.u32 v47, v60;
	v20 =	vld [tilespmem:$0x1FE00];
	v10 =	vand.u32 $0xFFFFFC00, v10  }
0x72: {  	v12 =	vand.u32 $0x7F, v12;
	v9 =	vld.idx.msk [tilespmem:v9+s11+$0x0], $0xffff;
	v28 =	vshll.u32 v8, $0x3;
	v10 =	vadd.s32 v3, v10  }
0x73: {  	v5 =	vadd.f32 v6, v5;
	v6 =	vor.u32 v12, v10;
	v10 =	vand.u32 $0xFFFFFC00, v28;
	v7 =	vld.idx.msk [tilespmem:v7+s11+$0x0], $0xffff  }
0x74: {  	v8 =	vand.u32 $0x7F, v8;
	v10 =	vadd.s32 v3, v10;
	v30 =	vshll.u32 v11, $0x3  }
0x75: {  	v16 =	vld [tilespmem:$0x1FE10];
	v6 =	vor.u32 v2, v6;
	v8 =	vor.u32 v8, v10;
	v10 =	vand.u32 $0xFFFFFC00, v30  }
0x76: {  	v31 =	vld.idx.msk [tilespmem:v23+s11+$0x0], $0xffff;
	v19 =	vor.u32 v20, v60;
	v11 =	vand.u32 $0x7F, v11;
	v10 =	vadd.s32 v3, v10  }
0x77: {  	v21 =	vld.idx.msk [tilespmem:v29+s11+$0x0], $0xffff;
	v8 =	vor.u32 v2, v8;
	v10 =	vor.u32 v11, v10;
	v11 =	vshll.u32 v9, $0x3  }
0x78: {  	v27 =	vld [tilespmem:$0x1FE60];
	v9 =	vand.u32 $0x7F, v9;
	v11 =	vand.u32 $0xFFFFFC00, v11;
	v22 =	vshll.u32 v7, $0x3  }
0x79: {  	v26 =	vld [tilespmem:$0x1FE70];
	v10 =	vor.u32 v2, v10;
	v11 =	vadd.s32 v3, v11;
	v15 =	vand.u32 $0xFFFFFC00, v22  }
0x7a: {  	v7 =	vand.u32 $0x7F, v7;
	v6 =	vld.idx.msk [tilespmem:v6+s2+$0x0], $0xffff;
	v9 =	vor.u32 v9, v11;
	v11 =	vadd.s32 v3, v15  }
0x7b: {  	v13 =	vld.idx.msk [tilespmem:v19+s11+$0x0], $0xffff;
	v9 =	vor.u32 v2, v9;
	v7 =	vor.u32 v7, v11;
	v11 =	vshll.u32 v31, $0x3  }
0x7c: {  	v23 =	vshll.u32 v21, $0x3;
	v12 =	vand.u32 $0x7F, v31;
	v8 =	vld.idx.msk [tilespmem:v8+s2+$0x0], $0xffff;
	v11 =	vand.u32 $0xFFFFFC00, v11  }
0x7d: {  	v18 =	vld [tilespmem:$0x1FE20];
	v15 =	vand.u32 $0xFFFFFC00, v23;
	v7 =	vor.u32 v2, v7;
	v11 =	vadd.s32 v3, v11  }
0x7e: {  	v28 =	vand.u32 $0x7F, v21;
	v29 =	vadd.s32 v3, v15;
	v10 =	vld.idx.msk [tilespmem:v10+s2+$0x0], $0xffff;
	v11 =	vor.u32 v12, v11  }
0x7f: {  	v22 =	vld [tilespmem:$0x1FE30];
	v5 =	vadd.f32 v6, v5;
	v6 =	vor.u32 v2, v11;
	v11 =	vor.u32 v28, v29  }
0x80: {  	v30 =	vshll.u32 v13, $0x3;
	v9 =	vld.idx.msk [tilespmem:v9+s2+$0x0], $0xffff;
	v11 =	vor.u32 v2, v11  }
0x81: {  	v31 =	vor.u32 v16, v60;
	v28 =	vld [tilespmem:$0x1FE40];
	v5 =	vadd.f32 v8, v5;
	v8 =	vand.u32 $0xFFFFFC00, v30  }
0x82: {  	v13 =	vand.u32 $0x7F, v13;
	v7 =	vld.idx.msk [tilespmem:v7+s2+$0x0], $0xffff;
	v8 =	vadd.s32 v3, v8  }
0x83: {  	v30 =	vld [tilespmem:$0x1FE50];
	v5 =	vadd.f32 v10, v5;
	v8 =	vor.u32 v13, v8;
	v10 =	vor.u32 v18, v60  }
0x84: {  	v8 =	vor.u32 v2, v8;
	v6 =	vld.idx.msk [tilespmem:v6+s2+$0x0], $0xffff  }
0x85: {  	v5 =	vadd.f32 v9, v5;
	v9 =	vld.idx.msk [tilespmem:v11+s2+$0x0], $0xffff;
	v11 =	vor.u32 v22, v60  }
0x86: {  	v12 =	vld.idx.msk [tilespmem:v31+s11+$0x0], $0xffff  }
0x87: {  	v21 =	vld [tilespmem:$0x1FE80];
	v5 =	vadd.f32 v7, v5  }
0x88: {  	v7 =	vld.idx.msk [tilespmem:v10+s11+$0x0], $0xffff;
	v10 =	vor.u32 v28, v60  }
0x89: {  	v5 =	vadd.f32 v6, v5;
	v6 =	vld.idx.msk [tilespmem:v8+s2+$0x0], $0xffff;
	v8 =	vor.u32 v30, v60  }
0x8a: {  	v23 =	vor.u32 v27, v60;
	v11 =	vld.idx.msk [tilespmem:v11+s11+$0x0], $0xffff  }
0x8b: {  	v31 =	vor.u32 v26, v60;
	v5 =	vadd.f32 v9, v5;
	v9 =	vshll.u32 v12, $0x3  }
0x8c: {  	v19 =	vor.u32 v21, v60;
	v9 =	vand.u32 $0xFFFFFC00, v9  }
0x8d: {  	v12 =	vand.u32 $0x7F, v12;
	v29 =	vshll.u32 v7, $0x3;
	v10 =	vld.idx.msk [tilespmem:v10+s11+$0x0], $0xffff;
	v9 =	vadd.s32 v3, v9  }
0x8e: {  	v5 =	vadd.f32 v6, v5;
	v6 =	vor.u32 v12, v9;
	v9 =	vand.u32 $0xFFFFFC00, v29;
	v8 =	vld.idx.msk [tilespmem:v8+s11+$0x0], $0xffff  }
0x8f: {  	v7 =	vand.u32 $0x7F, v7;
	v12 =	vld.idx.msk [tilespmem:v23+s11+$0x0], $0xffff;
	v9 =	vadd.s32 v3, v9;
	v17 =	vshll.u32 v11, $0x3  }
0x90: {  	v23 =	vld.idx.msk [tilespmem:v31+s11+$0x0], $0xffff;
	v6 =	vor.u32 v2, v6;
	v7 =	vor.u32 v7, v9;
	v9 =	vand.u32 $0xFFFFFC00, v17  }
0x91: {  	v11 =	vand.u32 $0x7F, v11;
	v9 =	vadd.s32 v3, v9;
	v7 =	vor.u32 v2, v7  }
0x92: {  	v17 =	vld [tilespmem:$0x1FE90];
	v9 =	vor.u32 v11, v9;
	v11 =	vshll.u32 v10, $0x3;
	v10 =	vand.u32 $0x7F, v10  }
0x93: {  	v9 =	vor.u32 v2, v9;
	v11 =	vand.u32 $0xFFFFFC00, v11;
	v29 =	vshll.u32 v8, $0x3  }
0x94: {  	v8 =	vand.u32 $0x7F, v8;
	v11 =	vadd.s32 v3, v11;
	v15 =	vand.u32 $0xFFFFFC00, v29  }
0x95: {  	v31 =	vshll.u32 v23, $0x3;
	v6 =	vld.idx.msk [tilespmem:v6+s2+$0x0], $0xffff;
	v10 =	vor.u32 v10, v11;
	v11 =	vadd.s32 v3, v15  }
0x96: {  	v13 =	vld.idx.msk [tilespmem:v19+s11+$0x0], $0xffff;
	v19 =	vand.u32 $0x7F, v23;
	v8 =	vor.u32 v8, v11;
	v11 =	vshll.u32 v12, $0x3  }
0x97: {  	v15 =	vand.u32 $0xFFFFFC00, v31;
	v31 =	vor.u32 v17, v60;
	v11 =	vand.u32 $0xFFFFFC00, v11  }
0x98: {  	v10 =	vor.u32 v2, v10;
	v7 =	vld.idx.msk [tilespmem:v7+s2+$0x0], $0xffff;
	v12 =	vand.u32 $0x7F, v12;
	v11 =	vadd.s32 v3, v11  }
0x99: {  	v23 =	vadd.s32 v3, v15;
	v8 =	vor.u32 v2, v8;
	v9 =	vld.idx.msk [tilespmem:v9+s2+$0x0], $0xffff;
	v11 =	vor.u32 v12, v11  }
0x9a: {  	v5 =	vadd.f32 v6, v5;
	v6 =	vor.u32 v2, v11;
	v11 =	vor.u32 v19, v23;
	v19 =	vld [tilespmem:$0x1FEA0]  }
0x9b: {  	v23 =	vld [tilespmem:$0x1FEB0]  }
0x9c: {  	v12 =	vld.idx.msk [tilespmem:v31+s11+$0x0], $0xffff  }
0x9d: {  	v29 =	vshll.u32 v13, $0x3;
	v10 =	vld.idx.msk [tilespmem:v10+s2+$0x0], $0xffff;
	v11 =	vor.u32 v2, v11  }
0x9e: {  	v31 =	vld [tilespmem:$0x1FED0];
	v5 =	vadd.f32 v7, v5;
	v7 =	vand.u32 $0xFFFFFC00, v29  }
0x9f: {  	v13 =	vand.u32 $0x7F, v13;
	v8 =	vld.idx.msk [tilespmem:v8+s2+$0x0], $0xffff;
	v7 =	vadd.s32 v3, v7  }
0xa0: {  	v29 =	vld [tilespmem:$0x1FEC0];
	v5 =	vadd.f32 v9, v5;
	v7 =	vor.u32 v13, v7;
	v9 =	vor.u32 v19, v60  }
0xa1: {  	v7 =	vor.u32 v2, v7;
	v6 =	vld.idx.msk [tilespmem:v6+s2+$0x0], $0xffff  }
0xa2: {  	v5 =	vadd.f32 v10, v5;
	v10 =	vld.idx.msk [tilespmem:v11+s2+$0x0], $0xffff;
	v11 =	vor.u32 v23, v60;
	_ =	sdelay $0x1  }
0xa3: {  	v5 =	vadd.f32 v8, v5  }
0xa4: {  	v8 =	vld.idx.msk [tilespmem:v9+s11+$0x0], $0xffff;
	v9 =	vor.u32 v29, v60  }
0xa5: {  	v5 =	vadd.f32 v6, v5;
	v6 =	vld.idx.msk [tilespmem:v7+s2+$0x0], $0xffff;
	v7 =	vor.u32 v31, v60  }
0xa6: {  	v11 =	vld.idx.msk [tilespmem:v11+s11+$0x0], $0xffff  }
0xa7: {  	v5 =	vadd.f32 v10, v5;
	v10 =	vshll.u32 v12, $0x3  }
0xa8: {  	v15 =	vor.u32 v46, v60;
	v13 =	vor.u32 v45, v60;
	v10 =	vand.u32 $0xFFFFFC00, v10  }
0xa9: {  	v12 =	vand.u32 $0x7F, v12;
	v10 =	vadd.s32 v3, v10;
	v14 =	vshll.u32 v8, $0x3;
	v9 =	vld.idx.msk [tilespmem:v9+s11+$0x0], $0xffff  }
0xaa: {  	v5 =	vadd.f32 v6, v5;
	v6 =	vor.u32 v12, v10;
	v7 =	vld.idx.msk [tilespmem:v7+s11+$0x0], $0xffff;
	v10 =	vand.u32 $0xFFFFFC00, v14  }
0xab: {  	v8 =	vand.u32 $0x7F, v8;
	v12 =	vshll.u32 v11, $0x3;
	v10 =	vadd.s32 v3, v10  }
0xac: {  	v6 =	vor.u32 v2, v6;
	v8 =	vor.u32 v8, v10;
	v10 =	vand.u32 $0xFFFFFC00, v12  }
0xad: {  	v11 =	vand.u32 $0x7F, v11;
	v12 =	vld.idx.msk [tilespmem:v13+s11+$0x0], $0xffff;
	v13 =	vor.u32 v1, v60;
	v10 =	vadd.s32 v3, v10  }
0xae: {  	v14 =	vld.idx.msk [tilespmem:v15+s11+$0x0], $0xffff;
	v8 =	vor.u32 v2, v8;
	v10 =	vor.u32 v11, v10;
	v11 =	vshll.u32 v9, $0x3  }
0xaf: {  	v15 =	vshll.u32 v7, $0x3;
	v9 =	vand.u32 $0x7F, v9;
	v11 =	vand.u32 $0xFFFFFC00, v11  }
0xb0: {  	v10 =	vor.u32 v2, v10;
	v15 =	vand.u32 $0xFFFFFC00, v15;
	v11 =	vadd.s32 v3, v11  }
0xb1: {  	v7 =	vand.u32 $0x7F, v7;
	v6 =	vld.idx.msk [tilespmem:v6+s2+$0x0], $0xffff;
	v9 =	vor.u32 v9, v11;
	v11 =	vadd.s32 v3, v15  }
0xb2: {  	v13 =	vld.idx.msk [tilespmem:v13+s11+$0x0], $0xffff;
	v9 =	vor.u32 v2, v9;
	v7 =	vor.u32 v7, v11;
	v11 =	vshll.u32 v12, $0x3  }
0xb3: {  	v15 =	vshll.u32 v14, $0x3;
	v8 =	vld.idx.msk [tilespmem:v8+s2+$0x0], $0xffff;
	v12 =	vand.u32 $0x7F, v12;
	v11 =	vand.u32 $0xFFFFFC00, v11  }
0xb4: {  	v15 =	vand.u32 $0xFFFFFC00, v15;
	v7 =	vor.u32 v2, v7;
	v11 =	vadd.s32 v3, v11  }
0xb5: {  	v10 =	vld.idx.msk [tilespmem:v10+s2+$0x0], $0xffff;
	v11 =	vor.u32 v12, v11;
	v12 =	vand.u32 $0x7F, v14;
	v14 =	vadd.s32 v3, v15  }
0xb6: {  	v5 =	vadd.f32 v6, v5;
	v6 =	vor.u32 v2, v11;
	v11 =	vor.u32 v12, v14  }
0xb7: {  	v12 =	vshll.u32 v13, $0x3;
	v9 =	vld.idx.msk [tilespmem:v9+s2+$0x0], $0xffff;
	v11 =	vor.u32 v2, v11  }
0xb8: {  	v5 =	vadd.f32 v8, v5;
	v8 =	vand.u32 $0xFFFFFC00, v12;
	v12 =	vor.u32 v48, v60  }
0xb9: {  	v13 =	vand.u32 $0x7F, v13;
	v7 =	vld.idx.msk [tilespmem:v7+s2+$0x0], $0xffff;
	v8 =	vadd.s32 v3, v8  }
0xba: {  	v5 =	vadd.f32 v10, v5;
	v8 =	vor.u32 v13, v8;
	v10 =	vor.u32 v49, v60  }
0xbb: {  	v8 =	vor.u32 v2, v8;
	v6 =	vld.idx.msk [tilespmem:v6+s2+$0x0], $0xffff  }
0xbc: {  	v5 =	vadd.f32 v9, v5;
	v9 =	vld.idx.msk [tilespmem:v11+s2+$0x0], $0xffff;
	v11 =	vor.u32 v50, v60  }
0xbd: {  	v12 =	vld.idx.msk [tilespmem:v12+s11+$0x0], $0xffff  }
0xbe: {  	v13 =	vor.u32 v52, v60;
	v5 =	vadd.f32 v7, v5  }
0xbf: {  	v7 =	vor.u32 v51, v60;
	v10 =	vld.idx.msk [tilespmem:v10+s11+$0x0], $0xffff  }
0xc0: {  	v5 =	vadd.f32 v6, v5;
	v6 =	vld.idx.msk [tilespmem:v8+s2+$0x0], $0xffff  }
0xc1: {  	v8 =	vld.idx.msk [tilespmem:v11+s11+$0x0], $0xffff  }
0xc2: {  	v5 =	vadd.f32 v9, v5;
	v9 =	vshll.u32 v12, $0x3  }
0xc3: {  	v13 =	vld.idx.msk [tilespmem:v13+s11+$0x0], $0xffff;
	v11 =	vand.u32 $0x7F, v12;
	v12 =	vor.u32 v53, v60;
	v9 =	vand.u32 $0xFFFFFC00, v9  }
0xc4: {  	v15 =	vor.u32 v54, v60;
	v7 =	vld.idx.msk [tilespmem:v7+s11+$0x0], $0xffff;
	v14 =	vshll.u32 v10, $0x3;
	v9 =	vadd.s32 v3, v9  }
0xc5: {  	v5 =	vadd.f32 v6, v5;
	v6 =	vor.u32 v11, v9;
	v9 =	vand.u32 $0xFFFFFC00, v14  }
0xc6: {  	v10 =	vand.u32 $0x7F, v10;
	v9 =	vadd.s32 v3, v9;
	v11 =	vshll.u32 v8, $0x3  }
0xc7: {  	v9 =	vor.u32 v10, v9;
	v10 =	vand.u32 $0xFFFFFC00, v11  }
0xc8: {  	v6 =	vor.u32 v2, v6;
	v8 =	vand.u32 $0x7F, v8;
	v11 =	vld.idx.msk [tilespmem:v12+s11+$0x0], $0xffff;
	v10 =	vadd.s32 v3, v10  }
0xc9: {  	v12 =	vshll.u32 v13, $0x3;
	v8 =	vor.u32 v8, v10;
	v10 =	vshll.u32 v7, $0x3  }
0xca: {  	v14 =	vld.idx.msk [tilespmem:v15+s11+$0x0], $0xffff;
	v13 =	vand.u32 $0x7F, v13;
	v9 =	vor.u32 v2, v9;
	v10 =	vand.u32 $0xFFFFFC00, v10  }
0xcb: {  	v12 =	vand.u32 $0xFFFFFC00, v12;
	v7 =	vand.u32 $0x7F, v7;
	v10 =	vadd.s32 v3, v10  }
0xcc: {  	v12 =	vadd.s32 v3, v12;
	v8 =	vor.u32 v2, v8;
	v7 =	vor.u32 v7, v10  }
0xcd: {  	v6 =	vld.idx.msk [tilespmem:v6+s2+$0x0], $0xffff;
	v10 =	vor.u32 v13, v12;
	v12 =	vshll.u32 v11, $0x3;
	v7 =	vor.u32 v2, v7  }
0xce: {  	v15 =	vor.u32 v55, v60;
	v12 =	vand.u32 $0xFFFFFC00, v12  }
0xcf: {  	v13 =	vshll.u32 v14, $0x3;
	v11 =	vand.u32 $0x7F, v11;
	v9 =	vld.idx.msk [tilespmem:v9+s2+$0x0], $0xffff;
	v12 =	vadd.s32 v3, v12  }
0xd0: {  	v10 =	vor.u32 v2, v10;
	v13 =	vand.u32 $0xFFFFFC00, v13;
	v11 =	vor.u32 v11, v12  }
0xd1: {  	v13 =	vadd.s32 v3, v13;
	v12 =	vand.u32 $0x7F, v14;
	v8 =	vld.idx.msk [tilespmem:v8+s2+$0x0], $0xffff;
	v11 =	vor.u32 v2, v11  }
0xd2: {  	v12 =	vor.u32 v12, v13;
	v5 =	vadd.f32 v6, v5;
	v13 =	vor.u32 v56, v60;
	v6 =	vld.idx.msk [tilespmem:v7+s2+$0x0], $0xffff  }
0xd3: {  	v7 =	vor.u32 v2, v12;
	v12 =	vld.idx.msk [tilespmem:v15+s11+$0x0], $0xffff  }
0xd4: {  	v5 =	vadd.f32 v9, v5;
	v9 =	vor.u32 v57, v60  }
0xd5: {  	v10 =	vld.idx.msk [tilespmem:v10+s2+$0x0], $0xffff  }
0xd6: {  	v14 =	vor.u32 v59, v60;
	v5 =	vadd.f32 v8, v5;
	v8 =	vld.idx.msk [tilespmem:v11+s2+$0x0], $0xffff  }
0xd7: {  	v11 =	vor.u32 v58, v60;
	v13 =	vld.idx.msk [tilespmem:v13+s11+$0x0], $0xffff  }
0xd8: {  	v7 =	vld.idx.msk [tilespmem:v7+s2+$0x0], $0xffff;
	v5 =	vadd.f32 v6, v5;
	v6 =	vshll.u32 v12, $0x3  }
0xd9: {  	v9 =	vld.idx.msk [tilespmem:v9+s11+$0x0], $0xffff;
	v6 =	vand.u32 $0xFFFFFC00, v6  }
0xda: {  	v5 =	vadd.f32 v10, v5;
	v10 =	vand.u32 $0x7F, v12;
	v6 =	vadd.s32 v3, v6  }
0xdb: {  	v12 =	vld.idx.msk [tilespmem:v14+s11+$0x0], $0xffff;
	v6 =	vor.u32 v10, v6;
	v10 =	vor.u32 v62, v60  }
0xdc: {  	v4 =	vor.u32 v4, v2;
	v5 =	vadd.f32 v8, v5;
	v6 =	vor.u32 v2, v6;
	v8 =	vld.idx.msk [tilespmem:v11+s11+$0x0], $0xffff  }
0xdd: {  	v14 =	vor.u32 v63, v4;
	v11 =	vshll.u32 v13, $0x3;
	v13 =	vand.u32 $0x7F, v13  }
0xde: {  	v5 =	vadd.f32 v7, v5;
	v7 =	vand.u32 $0xFFFFFC00, v11;
	v11 =	vshll.u32 v9, $0x3  }
0xdf: {  	v9 =	vand.u32 $0x7F, v9;
	v7 =	vadd.s32 v3, v7;
	v11 =	vand.u32 $0xFFFFFC00, v11  }
0xe0: {  	v60 =	vshll.u32 v12, $0x3;
	v7 =	vor.u32 v13, v7;
	v11 =	vadd.s32 v3, v11;
	v10 =	vld.idx.msk [tilespmem:v10+s11+$0x0], $0xffff  }
0xe1: {  	v6 =	vld.idx.msk [tilespmem:v6+s2+$0x0], $0xffff;
	v7 =	vor.u32 v2, v7;
	v9 =	vor.u32 v9, v11;
	v11 =	vshll.u32 v8, $0x3  }
0xe2: {  	v14 =	vld.idx.msk [tilespmem:v14+s11+$0x0], $0xffff;
	v13 =	vand.u32 $0xFFFFFC00, v60;
	v11 =	vand.u32 $0xFFFFFC00, v11  }
0xe3: {  	v8 =	vand.u32 $0x7F, v8;
	v9 =	vor.u32 v2, v9;
	v11 =	vadd.s32 v3, v11  }
0xe4: {  	v60 =	vadd.s32 v3, v13;
	v8 =	vor.u32 v8, v11;
	v11 =	vand.u32 $0x7F, v12  }
0xe5: {  	v8 =	vor.u32 v2, v8;
	v11 =	vor.u32 v11, v60;
	v60 =	vshll.u32 v10, $0x3  }
0xe6: {  	v5 =	vadd.f32 v6, v5;
	v6 =	vld.idx.msk [tilespmem:v7+s2+$0x0], $0xffff;
	v7 =	vor.u32 v2, v11;
	v11 =	vand.u32 $0xFFFFFC00, v60  }
0xe7: {  	v10 =	vand.u32 $0x7F, v10;
	v60 =	vshll.u32 v14, $0x3;
	v11 =	vadd.s32 v3, v11  }
0xe8: {  	v9 =	vld.idx.msk [tilespmem:v9+s2+$0x0], $0xffff;
	v10 =	vor.u32 v10, v11;
	v11 =	vand.u32 $0xFFFFFC00, v60  }
0xe9: {  	v60 =	vand.u32 $0x7F, v14;
	v11 =	vadd.s32 v3, v11  }
0xea: {  	v8 =	vld.idx.msk [tilespmem:v8+s2+$0x0], $0xffff;
	v11 =	vor.u32 v60, v11;
	v60 =	vor.u32 v35, v4  }
0xeb: {  	v5 =	vadd.f32 v6, v5;
	_ =	sdelay $0x1  }
0xec: {  	v5 =	vadd.f32 v9, v5;
	_ =	sdelay $0x1  }
0xed: {  	v5 =	vadd.f32 v8, v5;
	v8 =	vld.idx.msk [tilespmem:v60+s11+$0x0], $0xffff  }
0xee: {  	v60 =	vld [tilespmem:$0x1FF90];
	_ =	sdelay $0x2  }
0xef: {  	v12 =	vor.u32 v24, v4  }
0xf0: {  	v10 =	vor.u32 v2, v10  }
0xf1: {  	v13 =	vor.u32 v60, v4;
	v60 =	vld [tilespmem:$0x1FFA0]  }
0xf2: {  	v6 =	vor.u32 v2, v11  }
0xf3: {  	v7 =	vld.idx.msk [tilespmem:v7+s2+$0x0], $0xffff  }
0xf4: {  	v11 =	vor.u32 v34, v4;
	v9 =	vld.idx.msk [tilespmem:v12+s11+$0x0], $0xffff  }
0xf5: {  	v10 =	vld.idx.msk [tilespmem:v10+s2+$0x0], $0xffff  }
0xf6: {  	v12 =	vor.u32 v33, v4;
	v14 =	vor.u32 v60, v4;
	v60 =	vld [tilespmem:$0x1FFB0]  }
0xf7: {  	v6 =	vld.idx.msk [tilespmem:v6+s2+$0x0], $0xffff  }
0xf8: {  	v5 =	vadd.f32 v7, v5  }
0xf9: {  	v7 =	vld.idx.msk [tilespmem:v11+s11+$0x0], $0xffff;
	v11 =	vshll.u32 v9, $0x3  }
0xfa: {  	v9 =	vand.u32 $0x7F, v9;
	v5 =	vadd.f32 v10, v5;
	v10 =	vand.u32 $0xFFFFFC00, v11  }
0xfb: {  	v11 =	vld.idx.msk [tilespmem:v12+s11+$0x0], $0xffff;
	v10 =	vadd.s32 v3, v10;
	v12 =	vshll.u32 v8, $0x3;
	v15 =	vor.u32 v60, v4  }
0xfc: {  	v5 =	vadd.f32 v6, v5;
	v6 =	vor.u32 v9, v10;
	v9 =	vand.u32 $0xFFFFFC00, v12  }
0xfd: {  	v8 =	vand.u32 $0x7F, v8;
	v9 =	vadd.s32 v3, v9;
	v10 =	vld.idx.msk [tilespmem:v13+s11+$0x0], $0xffff  }
0xfe: {  	v8 =	vor.u32 v8, v9;
	v60 =	vshll.u32 v7, $0x3  }
0xff: {  	v6 =	vor.u32 v2, v6;
	v8 =	vor.u32 v2, v8;
	v12 =	vld.idx.msk [tilespmem:v14+s11+$0x0], $0xffff;
	v9 =	vand.u32 $0xFFFFFC00, v60  }
0x100: {  	v7 =	vand.u32 $0x7F, v7;
	v60 =	vshll.u32 v11, $0x3;
	v9 =	vadd.s32 v3, v9;
	v13 =	vld.idx.msk [tilespmem:v15+s11+$0x0], $0xffff  }
0x101: {  	v11 =	vand.u32 $0x7F, v11;
	v7 =	vor.u32 v7, v9;
	v9 =	vand.u32 $0xFFFFFC00, v60  }
0x102: {  	v60 =	vshll.u32 v10, $0x3;
	v10 =	vand.u32 $0x7F, v10;
	v9 =	vadd.s32 v3, v9  }
0x103: {  	v7 =	vor.u32 v2, v7;
	v9 =	vor.u32 v11, v9;
	v11 =	vand.u32 $0xFFFFFC00, v60  }
0x104: {  	v6 =	vld.idx.msk [tilespmem:v6+s2+$0x0], $0xffff;
	v60 =	vshll.u32 v12, $0x3;
	v11 =	vadd.s32 v3, v11;
	v9 =	vor.u32 v2, v9  }
0x105: {  	v10 =	vor.u32 v10, v11;
	v11 =	vand.u32 $0xFFFFFC00, v60;
	v60 =	vshll.u32 v13, $0x3  }
0x106: {  	v8 =	vld.idx.msk [tilespmem:v8+s2+$0x0], $0xffff;
	v12 =	vand.u32 $0x7F, v12;
	v11 =	vadd.s32 v3, v11;
	v60 =	vand.u32 $0xFFFFFC00, v60  }
0x107: {  	v11 =	vor.u32 v12, v11;
	v12 =	vadd.s32 v3, v60;
	v60 =	vld [tilespmem:$0x1FFC0]  }
0x108: {  	v10 =	vor.u32 v2, v10;
	v7 =	vld.idx.msk [tilespmem:v7+s2+$0x0], $0xffff;
	v13 =	vand.u32 $0x7F, v13  }
0x109: {  	v5 =	vadd.f32 v6, v5;
	v6 =	vor.u32 v2, v11;
	v11 =	vor.u32 v13, v12  }
0x10a: {  	v9 =	vld.idx.msk [tilespmem:v9+s2+$0x0], $0xffff;
	v11 =	vor.u32 v2, v11  }
0x10b: {  	v5 =	vadd.f32 v8, v5  }
0x10c: {  	v8 =	vld [tilespmem:$0x1FFD0];
	v14 =	vor.u32 v60, v4  }
0x10d: {  	v10 =	vld.idx.msk [tilespmem:v10+s2+$0x0], $0xffff;
	v5 =	vadd.f32 v7, v5  }
0x10e: {  	v60 =	vld [tilespmem:$0x1FFE0]  }
0x10f: {  	v5 =	vadd.f32 v9, v5;
	v9 =	vld.idx.msk [tilespmem:v11+s2+$0x0], $0xffff  }
0x110: {  	v11 =	vld [tilespmem:$0x1FFF0]  }
0x111: {  	v8 =	vor.u32 v8, v4;
	v7 =	vld.idx.msk [tilespmem:v14+s11+$0x0], $0xffff  }
0x112: {  	v6 =	vld.idx.msk [tilespmem:v6+s2+$0x0], $0xffff  }
0x113: {  	v12 =	vor.u32 v60, v4;
	_ =	sdelay $0x1  }
0x114: {  	v5 =	vadd.f32 v10, v5  }
0x115: {  	v8 =	vld.idx.msk [tilespmem:v8+s11+$0x0], $0xffff;
	v11 =	vor.u32 v11, v4;
	v60 =	vshll.u32 v7, $0x3  }
0x116: {  	v13 =	vor.u32 v37, v4;
	v5 =	vadd.f32 v6, v5;
	v6 =	vand.u32 $0xFFFFFC00, v60;
	v60 =	vld [tilespmem:$0x1FEE0]  }
0x117: {  	v10 =	vld.idx.msk [tilespmem:v12+s11+$0x0], $0xffff;
	_ =	sdelay $0x1  }
0x118: {  	v5 =	vadd.f32 v9, v5  }
0x119: {  	v12 =	vor.u32 v38, v4;
	v7 =	vand.u32 $0x7F, v7;
	v6 =	vadd.s32 v3, v6;
	v11 =	vld.idx.msk [tilespmem:v11+s11+$0x0], $0xffff  }
0x11a: {  	v9 =	vld.idx.msk [tilespmem:v13+s11+$0x0], $0xffff;
	v6 =	vor.u32 v7, v6;
	v7 =	vshll.u32 v8, $0x3;
	v4 =	vor.u32 v60, v4  }
0x11b: {  	v6 =	vor.u32 v2, v6;
	v7 =	vand.u32 $0xFFFFFC00, v7;
	v60 =	vshll.u32 v10, $0x3  }
0x11c: {  	v8 =	vand.u32 $0x7F, v8;
	v7 =	vadd.s32 v3, v7;
	v13 =	vand.u32 $0xFFFFFC00, v60  }
0x11d: {  	v7 =	vor.u32 v8, v7;
	v8 =	vand.u32 $0x7F, v10;
	v10 =	vadd.s32 v3, v13  }
0x11e: {  	v12 =	vld.idx.msk [tilespmem:v12+s11+$0x0], $0xffff;
	v7 =	vor.u32 v2, v7;
	v8 =	vor.u32 v8, v10;
	v10 =	vshll.u32 v11, $0x3  }
0x11f: {  	v60 =	vshll.u32 v9, $0x3;
	v10 =	vand.u32 $0xFFFFFC00, v10;
	v4 =	vld.idx.msk [tilespmem:v4+s11+$0x0], $0xffff  }
0x120: {  	v11 =	vand.u32 $0x7F, v11;
	v6 =	vld.idx.msk [tilespmem:v6+s2+$0x0], $0xffff;
	v8 =	vor.u32 v2, v8;
	v10 =	vadd.s32 v3, v10  }
0x121: {  	v13 =	vand.u32 $0xFFFFFC00, v60;
	v10 =	vor.u32 v11, v10  }
0x122: {  	v9 =	vand.u32 $0x7F, v9;
	v11 =	vadd.s32 v3, v13;
	v10 =	vor.u32 v2, v10  }
0x123: {  	v7 =	vld.idx.msk [tilespmem:v7+s2+$0x0], $0xffff;
	v9 =	vor.u32 v9, v11;
	v11 =	vshll.u32 v12, $0x3;
	v12 =	vand.u32 $0x7F, v12  }
0x124: {  	v9 =	vor.u32 v2, v9;
	v11 =	vand.u32 $0xFFFFFC00, v11;
	v60 =	vshll.u32 v4, $0x3  }
0x125: {  	v5 =	vadd.f32 v6, v5;
	v11 =	vadd.s32 v3, v11;
	v8 =	vld.idx.msk [tilespmem:v8+s2+$0x0], $0xffff;
	v13 =	vand.u32 $0xFFFFFC00, v60  }
0x126: {  	v11 =	vor.u32 v12, v11;
	v4 =	vand.u32 $0x7F, v4;
	v3 =	vadd.s32 v3, v13  }
0x127: {  	v6 =	vor.u32 v2, v11;
	v3 =	vor.u32 v4, v3;
	v4 =	vld.idx.msk [tilespmem:v10+s2+$0x0], $0xffff  }
0x128: {  	v2 =	vor.u32 v2, v3;
	v3 =	vadd.f32 v7, v5  }
0x129: {  	v5 =	vld.idx.msk [tilespmem:v9+s2+$0x0], $0xffff  }
0x12a: {  	v3 =	vadd.f32 v8, v3  }
0x12b: {  	s16 =	sadd.s32 $0x1, s15  }
0x12c: {  	v7 =	vmov s16;
	v6 =	vld.idx.msk [tilespmem:v6+s2+$0x0], $0xffff;
	v3 =	vadd.f32 v4, v3  }
0x12d: {  	v60 =	vshll.u32 v7, $0x7;
	v4 =	vshll.u32 v7, $0xA;
	v7 =	vlaneseq.u32;
	v8 =	vld.idx.msk [tilespmem:v2+s2+$0x0], $0xffff  }
0x12e: {  	v2 =	vand.u32 $0x380, v60;
	v5 =	vadd.f32 v5, v3;
	v3 =	vand.u32 $0x6000, v4  }
0x12f: {  	v7 =	vor.u32 v7, v61;
	v61 =	vor.u32 v2, v3  }
0x130: {  	v9 =	vor.u32 v0, v61;
	v0 =	vld [tilespmem:$0x1FF40]  }
0x131: {  	v5 =	vadd.f32 v6, v5  }
0x132: {  	v8 =	vnsel vm0, $0x0, v8  }
0x133: {  	v5 =	vadd.f32 v8, v5;
	_ =	sdelay $0x1  }
0x134: {  	v6 =	vlaneseq.u32;
	[tilespmem:v7+s12+$0x0] =	vst.idx.msk $0xffff, v5;
	v5 =	vor.u32 v0, v61;
	v0 =	vld [tilespmem:$0x1FF20]  }
0x135: {  	v6 =	vor.u32 v6, v61;
	_ =	sdelay $0x3  }
0x136: {  	v7 =	vor.u32 v0, v61;
	v0 =	vld [tilespmem:$0x1FF30]  }
0x137: {  	v6 =	vld.idx.msk [tilespmem:v6+s11+$0x0], $0xffff  }
0x138: {  	v8 =	vld.idx.msk [tilespmem:v9+s11+$0x0], $0xffff;
	_ =	sdelay $0x2  }
0x139: {  	v5 =	vld.idx.msk [tilespmem:v5+s11+$0x0], $0xffff;
	v9 =	vor.u32 v0, v61  }
0x13a: {  	v10 =	vshll.u32 v6, $0x3;
	v7 =	vld.idx.msk [tilespmem:v7+s11+$0x0], $0xffff  }
0x13b: {  	v11 =	vshll.u32 v8, $0x3;
	v10 =	vand.u32 $0xFFFFFC00, v10  }
0x13c: {  	v6 =	vand.u32 $0x7F, v6;
	v11 =	vand.u32 $0xFFFFFC00, v11;
	v10 =	vadd.s32 v3, v10;
	v0 =	vld [tilespmem:$0x1FF50]  }
0x13d: {  	v8 =	vand.u32 $0x7F, v8;
	v6 =	vor.u32 v6, v10;
	v10 =	vadd.s32 v3, v11  }
0x13e: {  	v8 =	vor.u32 v8, v10;
	v10 =	vshll.u32 v5, $0x3;
	v9 =	vld.idx.msk [tilespmem:v9+s11+$0x0], $0xffff  }
0x13f: {  	v6 =	vor.u32 v2, v6;
	v10 =	vand.u32 $0xFFFFFC00, v10;
	v11 =	vshll.u32 v7, $0x3  }
0x140: {  	v5 =	vand.u32 $0x7F, v5;
	v10 =	vadd.s32 v3, v10;
	v11 =	vand.u32 $0xFFFFFC00, v11  }
0x141: {  	v5 =	vor.u32 v5, v10;
	v10 =	vadd.s32 v3, v11;
	v11 =	vor.u32 v0, v61;
	v0 =	vld [tilespmem:$0x1FF60]  }
0x142: {  	v7 =	vand.u32 $0x7F, v7  }
0x143: {  	v8 =	vor.u32 v2, v8;
	v7 =	vor.u32 v7, v10;
	v10 =	vshll.u32 v9, $0x3  }
0x144: {  	v10 =	vand.u32 $0xFFFFFC00, v10  }
0x145: {  	v5 =	vor.u32 v2, v5;
	v6 =	vld.idx.msk [tilespmem:v6+s2+$0x0], $0xffff;
	v9 =	vand.u32 $0x7F, v9;
	v10 =	vadd.s32 v3, v10  }
0x146: {  	v9 =	vor.u32 v9, v10;
	v10 =	vor.u32 v0, v61;
	v0 =	vld [tilespmem:$0x1FF70];
	_ =	sdelay $0x1  }
0x147: {  	v8 =	vld.idx.msk [tilespmem:v8+s2+$0x0], $0xffff  }
0x148: {  	v7 =	vor.u32 v2, v7  }
0x149: {  	v5 =	vld.idx.msk [tilespmem:v5+s2+$0x0], $0xffff;
	v9 =	vor.u32 v2, v9  }
0x14a: {  	v6 =	vadd.f32 $0.0e+00, v6;
	v12 =	vor.u32 v0, v61;
	v0 =	vld [tilespmem:$0x1FF80];
	_ =	sdelay $0x1  }
0x14b: {  	v11 =	vld.idx.msk [tilespmem:v11+s11+$0x0], $0xffff;
	v6 =	vadd.f32 v8, v6  }
0x14c: {  	v7 =	vld.idx.msk [tilespmem:v7+s2+$0x0], $0xffff  }
0x14d: {  	v5 =	vadd.f32 v5, v6;
	v6 =	vld.idx.msk [tilespmem:v9+s2+$0x0], $0xffff;
	v9 =	vor.u32 v32, v61  }
0x14e: {  	v8 =	vld.idx.msk [tilespmem:v10+s11+$0x0], $0xffff;
	v10 =	vor.u32 v0, v61;
	_ =	sdelay $0x1  }
0x14f: {  	v12 =	vld.idx.msk [tilespmem:v12+s11+$0x0], $0xffff  }
0x150: {  	v40 =	vor.u32 v40, v61;
	v5 =	vadd.f32 v7, v5;
	v7 =	vshll.u32 v11, $0x3  }
0x151: {  	v13 =	vor.u32 v39, v61;
	v41 =	vor.u32 v41, v61;
	v7 =	vand.u32 $0xFFFFFC00, v7;
	v9 =	vld.idx.msk [tilespmem:v9+s11+$0x0], $0xffff  }
0x152: {  	v11 =	vand.u32 $0x7F, v11;
	v7 =	vadd.s32 v3, v7;
	v39 =	vshll.u32 v8, $0x3;
	v10 =	vld.idx.msk [tilespmem:v10+s11+$0x0], $0xffff  }
0x153: {  	v5 =	vadd.f32 v6, v5;
	v6 =	vor.u32 v11, v7;
	v7 =	vand.u32 $0xFFFFFC00, v39  }
0x154: {  	v8 =	vand.u32 $0x7F, v8;
	v7 =	vadd.s32 v3, v7;
	v11 =	vshll.u32 v12, $0x3  }
0x155: {  	v39 =	vld.idx.msk [tilespmem:v40+s11+$0x0], $0xffff;
	v6 =	vor.u32 v2, v6;
	v7 =	vor.u32 v8, v7;
	v8 =	vand.u32 $0xFFFFFC00, v11  }
0x156: {  	v7 =	vor.u32 v2, v7;
	v11 =	vand.u32 $0x7F, v12;
	v12 =	vld.idx.msk [tilespmem:v13+s11+$0x0], $0xffff;
	v8 =	vadd.s32 v3, v8  }
0x157: {  	v40 =	vshll.u32 v9, $0x3;
	v8 =	vor.u32 v11, v8;
	v11 =	vshll.u32 v10, $0x3  }
0x158: {  	v9 =	vand.u32 $0x7F, v9;
	v15 =	vand.u32 $0xFFFFFC00, v40;
	v11 =	vand.u32 $0xFFFFFC00, v11  }
0x159: {  	v13 =	vld.idx.msk [tilespmem:v41+s11+$0x0], $0xffff;
	v8 =	vor.u32 v2, v8;
	v10 =	vand.u32 $0x7F, v10;
	v11 =	vadd.s32 v3, v11  }
0x15a: {  	v41 =	vshll.u32 v39, $0x3;
	v6 =	vld.idx.msk [tilespmem:v6+s2+$0x0], $0xffff;
	v10 =	vor.u32 v10, v11;
	v11 =	vadd.s32 v3, v15  }
0x15b: {  	v10 =	vor.u32 v2, v10;
	v9 =	vor.u32 v9, v11;
	v11 =	vshll.u32 v12, $0x3  }
0x15c: {  	v7 =	vld.idx.msk [tilespmem:v7+s2+$0x0], $0xffff;
	v15 =	vand.u32 $0xFFFFFC00, v41;
	v11 =	vand.u32 $0xFFFFFC00, v11  }
0x15d: {  	v12 =	vand.u32 $0x7F, v12;
	v9 =	vor.u32 v2, v9;
	v11 =	vadd.s32 v3, v11  }
0x15e: {  	v39 =	vand.u32 $0x7F, v39;
	v8 =	vld.idx.msk [tilespmem:v8+s2+$0x0], $0xffff;
	v40 =	vadd.s32 v3, v15;
	v11 =	vor.u32 v12, v11  }
0x15f: {  	v5 =	vadd.f32 v6, v5;
	v6 =	vor.u32 v2, v11;
	v11 =	vor.u32 v39, v40  }
0x160: {  	v41 =	vshll.u32 v13, $0x3;
	v10 =	vld.idx.msk [tilespmem:v10+s2+$0x0], $0xffff;
	v11 =	vor.u32 v2, v11  }
0x161: {  	v42 =	vor.u32 v42, v61;
	v5 =	vadd.f32 v7, v5;
	v7 =	vand.u32 $0xFFFFFC00, v41  }
0x162: {  	v13 =	vand.u32 $0x7F, v13;
	v7 =	vadd.s32 v3, v7;
	v9 =	vld.idx.msk [tilespmem:v9+s2+$0x0], $0xffff  }
0x163: {  	v7 =	vor.u32 v13, v7;
	v5 =	vadd.f32 v8, v5;
	v8 =	vor.u32 v43, v61  }
0x164: {  	v7 =	vor.u32 v2, v7;
	v6 =	vld.idx.msk [tilespmem:v6+s2+$0x0], $0xffff  }
0x165: {  	v5 =	vadd.f32 v10, v5;
	v10 =	vld.idx.msk [tilespmem:v11+s2+$0x0], $0xffff;
	v11 =	vor.u32 v44, v61  }
0x166: {  	v12 =	vld.idx.msk [tilespmem:v42+s11+$0x0], $0xffff  }
0x167: {  	v5 =	vadd.f32 v9, v5  }
0x168: {  	v8 =	vld.idx.msk [tilespmem:v8+s11+$0x0], $0xffff;
	v9 =	vor.u32 v47, v61  }
0x169: {  	v5 =	vadd.f32 v6, v5;
	v6 =	vld.idx.msk [tilespmem:v7+s2+$0x0], $0xffff;
	v7 =	vor.u32 v25, v61  }
0x16a: {  	v11 =	vld.idx.msk [tilespmem:v11+s11+$0x0], $0xffff  }
0x16b: {  	v5 =	vadd.f32 v10, v5;
	v10 =	vshll.u32 v12, $0x3  }
0x16c: {  	v39 =	vor.u32 v16, v61;
	v47 =	vor.u32 v20, v61;
	v10 =	vand.u32 $0xFFFFFC00, v10  }
0x16d: {  	v20 =	vshll.u32 v8, $0x3;
	v12 =	vand.u32 $0x7F, v12;
	v9 =	vld.idx.msk [tilespmem:v9+s11+$0x0], $0xffff;
	v10 =	vadd.s32 v3, v10  }
0x16e: {  	v5 =	vadd.f32 v6, v5;
	v6 =	vor.u32 v12, v10;
	v10 =	vand.u32 $0xFFFFFC00, v20;
	v7 =	vld.idx.msk [tilespmem:v7+s11+$0x0], $0xffff  }
0x16f: {  	v8 =	vand.u32 $0x7F, v8;
	v10 =	vadd.s32 v3, v10;
	v40 =	vshll.u32 v11, $0x3  }
0x170: {  	v6 =	vor.u32 v2, v6;
	v8 =	vor.u32 v8, v10;
	v10 =	vand.u32 $0xFFFFFC00, v40  }
0x171: {  	v42 =	vor.u32 v18, v61;
	v41 =	vld.idx.msk [tilespmem:v47+s11+$0x0], $0xffff;
	v11 =	vand.u32 $0x7F, v11;
	v10 =	vadd.s32 v3, v10  }
0x172: {  	v43 =	vld.idx.msk [tilespmem:v39+s11+$0x0], $0xffff;
	v8 =	vor.u32 v2, v8;
	v10 =	vor.u32 v11, v10;
	v11 =	vshll.u32 v9, $0x3  }
0x173: {  	v9 =	vand.u32 $0x7F, v9;
	v11 =	vand.u32 $0xFFFFFC00, v11;
	v44 =	vshll.u32 v7, $0x3  }
0x174: {  	v10 =	vor.u32 v2, v10;
	v11 =	vadd.s32 v3, v11;
	v15 =	vand.u32 $0xFFFFFC00, v44  }
0x175: {  	v7 =	vand.u32 $0x7F, v7;
	v6 =	vld.idx.msk [tilespmem:v6+s2+$0x0], $0xffff;
	v9 =	vor.u32 v9, v11;
	v11 =	vadd.s32 v3, v15  }
0x176: {  	v13 =	vld.idx.msk [tilespmem:v42+s11+$0x0], $0xffff;
	v9 =	vor.u32 v2, v9;
	v7 =	vor.u32 v7, v11;
	v11 =	vshll.u32 v41, $0x3  }
0x177: {  	v47 =	vshll.u32 v43, $0x3;
	v12 =	vand.u32 $0x7F, v41;
	v8 =	vld.idx.msk [tilespmem:v8+s2+$0x0], $0xffff;
	v11 =	vand.u32 $0xFFFFFC00, v11  }
0x178: {  	v15 =	vand.u32 $0xFFFFFC00, v47;
	v7 =	vor.u32 v2, v7;
	v11 =	vadd.s32 v3, v11  }
0x179: {  	v18 =	vand.u32 $0x7F, v43;
	v20 =	vadd.s32 v3, v15;
	v10 =	vld.idx.msk [tilespmem:v10+s2+$0x0], $0xffff;
	v11 =	vor.u32 v12, v11  }
0x17a: {  	v5 =	vadd.f32 v6, v5;
	v6 =	vor.u32 v2, v11;
	v11 =	vor.u32 v18, v20  }
0x17b: {  	v39 =	vshll.u32 v13, $0x3;
	v9 =	vld.idx.msk [tilespmem:v9+s2+$0x0], $0xffff;
	v11 =	vor.u32 v2, v11  }
0x17c: {  	v40 =	vor.u32 v22, v61;
	v5 =	vadd.f32 v8, v5;
	v8 =	vand.u32 $0xFFFFFC00, v39  }
0x17d: {  	v13 =	vand.u32 $0x7F, v13;
	v7 =	vld.idx.msk [tilespmem:v7+s2+$0x0], $0xffff;
	v8 =	vadd.s32 v3, v8  }
0x17e: {  	v5 =	vadd.f32 v10, v5;
	v8 =	vor.u32 v13, v8;
	v10 =	vor.u32 v28, v61  }
0x17f: {  	v8 =	vor.u32 v2, v8;
	v6 =	vld.idx.msk [tilespmem:v6+s2+$0x0], $0xffff  }
0x180: {  	v5 =	vadd.f32 v9, v5;
	v9 =	vld.idx.msk [tilespmem:v11+s2+$0x0], $0xffff;
	v11 =	vor.u32 v30, v61  }
0x181: {  	v12 =	vld.idx.msk [tilespmem:v40+s11+$0x0], $0xffff  }
0x182: {  	v5 =	vadd.f32 v7, v5  }
0x183: {  	v7 =	vld.idx.msk [tilespmem:v10+s11+$0x0], $0xffff;
	v10 =	vor.u32 v27, v61  }
0x184: {  	v5 =	vadd.f32 v6, v5;
	v6 =	vld.idx.msk [tilespmem:v8+s2+$0x0], $0xffff;
	v8 =	vor.u32 v26, v61  }
0x185: {  	v11 =	vld.idx.msk [tilespmem:v11+s11+$0x0], $0xffff  }
0x186: {  	v5 =	vadd.f32 v9, v5;
	v9 =	vshll.u32 v12, $0x3  }
0x187: {  	v43 =	vor.u32 v17, v61;
	v41 =	vor.u32 v21, v61;
	v9 =	vand.u32 $0xFFFFFC00, v9  }
0x188: {  	v12 =	vand.u32 $0x7F, v12;
	v42 =	vshll.u32 v7, $0x3;
	v10 =	vld.idx.msk [tilespmem:v10+s11+$0x0], $0xffff;
	v9 =	vadd.s32 v3, v9  }
0x189: {  	v5 =	vadd.f32 v6, v5;
	v6 =	vor.u32 v12, v9;
	v9 =	vand.u32 $0xFFFFFC00, v42;
	v8 =	vld.idx.msk [tilespmem:v8+s11+$0x0], $0xffff  }
0x18a: {  	v7 =	vand.u32 $0x7F, v7;
	v9 =	vadd.s32 v3, v9;
	v44 =	vshll.u32 v11, $0x3  }
0x18b: {  	v6 =	vor.u32 v2, v6;
	v7 =	vor.u32 v7, v9;
	v9 =	vand.u32 $0xFFFFFC00, v44  }
0x18c: {  	v18 =	vor.u32 v19, v61;
	v47 =	vld.idx.msk [tilespmem:v41+s11+$0x0], $0xffff;
	v11 =	vand.u32 $0x7F, v11;
	v9 =	vadd.s32 v3, v9  }
0x18d: {  	v19 =	vld.idx.msk [tilespmem:v43+s11+$0x0], $0xffff;
	v7 =	vor.u32 v2, v7;
	v9 =	vor.u32 v11, v9;
	v11 =	vshll.u32 v10, $0x3  }
0x18e: {  	v10 =	vand.u32 $0x7F, v10;
	v11 =	vand.u32 $0xFFFFFC00, v11;
	v20 =	vshll.u32 v8, $0x3  }
0x18f: {  	v9 =	vor.u32 v2, v9;
	v11 =	vadd.s32 v3, v11;
	v15 =	vand.u32 $0xFFFFFC00, v20  }
0x190: {  	v8 =	vand.u32 $0x7F, v8;
	v6 =	vld.idx.msk [tilespmem:v6+s2+$0x0], $0xffff;
	v10 =	vor.u32 v10, v11;
	v11 =	vadd.s32 v3, v15  }
0x191: {  	v13 =	vld.idx.msk [tilespmem:v18+s11+$0x0], $0xffff;
	v10 =	vor.u32 v2, v10;
	v8 =	vor.u32 v8, v11;
	v11 =	vshll.u32 v47, $0x3  }
0x192: {  	v21 =	vshll.u32 v19, $0x3;
	v12 =	vand.u32 $0x7F, v47;
	v7 =	vld.idx.msk [tilespmem:v7+s2+$0x0], $0xffff;
	v11 =	vand.u32 $0xFFFFFC00, v11  }
0x193: {  	v15 =	vand.u32 $0xFFFFFC00, v21;
	v8 =	vor.u32 v2, v8;
	v11 =	vadd.s32 v3, v11  }
0x194: {  	v22 =	vand.u32 $0x7F, v19;
	v28 =	vadd.s32 v3, v15;
	v9 =	vld.idx.msk [tilespmem:v9+s2+$0x0], $0xffff;
	v11 =	vor.u32 v12, v11  }
0x195: {  	v5 =	vadd.f32 v6, v5;
	v6 =	vor.u32 v2, v11;
	v11 =	vor.u32 v22, v28  }
0x196: {  	v30 =	vshll.u32 v13, $0x3;
	v10 =	vld.idx.msk [tilespmem:v10+s2+$0x0], $0xffff;
	v11 =	vor.u32 v2, v11  }
0x197: {  	v39 =	vor.u32 v23, v61;
	v5 =	vadd.f32 v7, v5;
	v7 =	vand.u32 $0xFFFFFC00, v30  }
0x198: {  	v13 =	vand.u32 $0x7F, v13;
	v8 =	vld.idx.msk [tilespmem:v8+s2+$0x0], $0xffff;
	v7 =	vadd.s32 v3, v7  }
0x199: {  	v5 =	vadd.f32 v9, v5;
	v7 =	vor.u32 v13, v7;
	v9 =	vor.u32 v29, v61  }
0x19a: {  	v7 =	vor.u32 v2, v7;
	v6 =	vld.idx.msk [tilespmem:v6+s2+$0x0], $0xffff  }
0x19b: {  	v5 =	vadd.f32 v10, v5;
	v10 =	vld.idx.msk [tilespmem:v11+s2+$0x0], $0xffff;
	v11 =	vor.u32 v31, v61  }
0x19c: {  	v12 =	vld.idx.msk [tilespmem:v39+s11+$0x0], $0xffff  }
0x19d: {  	v43 =	vor.u32 v48, v61;
	v5 =	vadd.f32 v8, v5  }
0x19e: {  	v8 =	vor.u32 v45, v61;
	v9 =	vld.idx.msk [tilespmem:v9+s11+$0x0], $0xffff  }
0x19f: {  	v40 =	vor.u32 v46, v61;
	v5 =	vadd.f32 v6, v5;
	v6 =	vld.idx.msk [tilespmem:v7+s2+$0x0], $0xffff  }
0x1a0: {  	v7 =	vld.idx.msk [tilespmem:v11+s11+$0x0], $0xffff  }
0x1a1: {  	v41 =	vor.u32 v1, v61;
	v5 =	vadd.f32 v10, v5;
	v10 =	vshll.u32 v12, $0x3  }
0x1a2: {  	v23 =	vor.u32 v53, v61;
	v19 =	vor.u32 v49, v61;
	v47 =	vld.idx.msk [tilespmem:v43+s11+$0x0], $0xffff;
	v10 =	vand.u32 $0xFFFFFC00, v10  }
0x1a3: {  	v11 =	vand.u32 $0x7F, v12;
	v8 =	vld.idx.msk [tilespmem:v8+s11+$0x0], $0xffff;
	v42 =	vshll.u32 v9, $0x3;
	v10 =	vadd.s32 v3, v10  }
0x1a4: {  	v13 =	vld.idx.msk [tilespmem:v40+s11+$0x0], $0xffff;
	v5 =	vadd.f32 v6, v5;
	v6 =	vor.u32 v11, v10;
	v10 =	vand.u32 $0xFFFFFC00, v42  }
0x1a5: {  	v9 =	vand.u32 $0x7F, v9;
	v10 =	vadd.s32 v3, v10;
	v11 =	vshll.u32 v7, $0x3  }
0x1a6: {  	v6 =	vor.u32 v2, v6;
	v9 =	vor.u32 v9, v10;
	v10 =	vand.u32 $0xFFFFFC00, v11  }
0x1a7: {  	v22 =	vor.u32 v50, v61;
	v7 =	vand.u32 $0x7F, v7;
	v11 =	vld.idx.msk [tilespmem:v41+s11+$0x0], $0xffff;
	v10 =	vadd.s32 v3, v10  }
0x1a8: {  	v9 =	vor.u32 v2, v9;
	v7 =	vor.u32 v7, v10;
	v10 =	vshll.u32 v8, $0x3  }
0x1a9: {  	v18 =	vshll.u32 v47, $0x3;
	v44 =	vshll.u32 v13, $0x3;
	v10 =	vand.u32 $0xFFFFFC00, v10  }
0x1aa: {  	v8 =	vand.u32 $0x7F, v8;
	v7 =	vor.u32 v2, v7;
	v10 =	vadd.s32 v3, v10  }
0x1ab: {  	v13 =	vand.u32 $0x7F, v13;
	v12 =	vand.u32 $0xFFFFFC00, v44;
	v6 =	vld.idx.msk [tilespmem:v6+s2+$0x0], $0xffff;
	v8 =	vor.u32 v8, v10  }
0x1ac: {  	v12 =	vadd.s32 v3, v12;
	v17 =	vshll.u32 v11, $0x3;
	v8 =	vor.u32 v2, v8  }
0x1ad: {  	v10 =	vor.u32 v13, v12;
	v11 =	vand.u32 $0x7F, v11;
	v12 =	vand.u32 $0xFFFFFC00, v17;
	v9 =	vld.idx.msk [tilespmem:v9+s2+$0x0], $0xffff  }
0x1ae: {  	v13 =	vand.u32 $0xFFFFFC00, v18;
	v10 =	vor.u32 v2, v10;
	v12 =	vadd.s32 v3, v12  }
0x1af: {  	v20 =	vand.u32 $0x7F, v47;
	v13 =	vadd.s32 v3, v13;
	v11 =	vor.u32 v11, v12;
	v7 =	vld.idx.msk [tilespmem:v7+s2+$0x0], $0xffff  }
0x1b0: {  	v21 =	vld.idx.msk [tilespmem:v19+s11+$0x0], $0xffff;
	v12 =	vor.u32 v20, v13;
	v11 =	vor.u32 v2, v11;
	v5 =	vadd.f32 v6, v5  }
0x1b1: {  	v6 =	vld.idx.msk [tilespmem:v8+s2+$0x0], $0xffff;
	v8 =	vor.u32 v2, v12  }
0x1b2: {  	v28 =	vld.idx.msk [tilespmem:v23+s11+$0x0], $0xffff;
	v5 =	vadd.f32 v9, v5;
	v9 =	vor.u32 v51, v61  }
0x1b3: {  	v10 =	vld.idx.msk [tilespmem:v10+s2+$0x0], $0xffff  }
0x1b4: {  	v13 =	vld.idx.msk [tilespmem:v22+s11+$0x0], $0xffff;
	v5 =	vadd.f32 v7, v5  }
0x1b5: {  	v7 =	vld.idx.msk [tilespmem:v11+s2+$0x0], $0xffff;
	v11 =	vor.u32 v52, v61  }
0x1b6: {  	v8 =	vld.idx.msk [tilespmem:v8+s2+$0x0], $0xffff;
	v5 =	vadd.f32 v6, v5;
	v6 =	vshll.u32 v21, $0x3  }
0x1b7: {  	v9 =	vld.idx.msk [tilespmem:v9+s11+$0x0], $0xffff;
	v6 =	vand.u32 $0xFFFFFC00, v6  }
0x1b8: {  	v5 =	vadd.f32 v10, v5;
	v10 =	vand.u32 $0x7F, v21;
	v6 =	vadd.s32 v3, v6  }
0x1b9: {  	v6 =	vor.u32 v10, v6;
	v10 =	vor.u32 v54, v61  }
0x1ba: {  	v5 =	vadd.f32 v7, v5;
	v6 =	vor.u32 v2, v6;
	v7 =	vld.idx.msk [tilespmem:v11+s11+$0x0], $0xffff  }
0x1bb: {  	v29 =	vor.u32 v55, v61;
	v30 =	vshll.u32 v28, $0x3;
	v11 =	vshll.u32 v13, $0x3  }
0x1bc: {  	v5 =	vadd.f32 v8, v5;
	v8 =	vand.u32 $0xFFFFFC00, v11;
	v11 =	vshll.u32 v9, $0x3  }
0x1bd: {  	v13 =	vand.u32 $0x7F, v13;
	v8 =	vadd.s32 v3, v8;
	v11 =	vand.u32 $0xFFFFFC00, v11  }
0x1be: {  	v9 =	vand.u32 $0x7F, v9;
	v8 =	vor.u32 v13, v8;
	v11 =	vadd.s32 v3, v11;
	v10 =	vld.idx.msk [tilespmem:v10+s11+$0x0], $0xffff  }
0x1bf: {  	v6 =	vld.idx.msk [tilespmem:v6+s2+$0x0], $0xffff;
	v8 =	vor.u32 v2, v8;
	v9 =	vor.u32 v9, v11;
	v11 =	vshll.u32 v7, $0x3  }
0x1c0: {  	v14 =	vld.idx.msk [tilespmem:v29+s11+$0x0], $0xffff;
	v18 =	vor.u32 v63, v61;
	v13 =	vand.u32 $0xFFFFFC00, v30;
	v11 =	vand.u32 $0xFFFFFC00, v11  }
0x1c1: {  	v7 =	vand.u32 $0x7F, v7;
	v9 =	vor.u32 v2, v9;
	v11 =	vadd.s32 v3, v11  }
0x1c2: {  	v31 =	vadd.s32 v3, v13;
	v7 =	vor.u32 v7, v11;
	v11 =	vand.u32 $0x7F, v28  }
0x1c3: {  	v7 =	vor.u32 v2, v7;
	v11 =	vor.u32 v11, v31;
	v39 =	vshll.u32 v10, $0x3  }
0x1c4: {  	v5 =	vadd.f32 v6, v5;
	v6 =	vld.idx.msk [tilespmem:v8+s2+$0x0], $0xffff;
	v8 =	vor.u32 v2, v11;
	v11 =	vand.u32 $0xFFFFFC00, v39  }
0x1c5: {  	v40 =	vshll.u32 v14, $0x3;
	v10 =	vand.u32 $0x7F, v10;
	v11 =	vadd.s32 v3, v11  }
0x1c6: {  	v41 =	vor.u32 v56, v61;
	v9 =	vld.idx.msk [tilespmem:v9+s2+$0x0], $0xffff;
	v10 =	vor.u32 v10, v11;
	v11 =	vand.u32 $0xFFFFFC00, v40  }
0x1c7: {  	v42 =	vand.u32 $0x7F, v14;
	v10 =	vor.u32 v2, v10;
	v11 =	vadd.s32 v3, v11  }
0x1c8: {  	v43 =	vor.u32 v57, v61;
	v7 =	vld.idx.msk [tilespmem:v7+s2+$0x0], $0xffff;
	v11 =	vor.u32 v42, v11  }
0x1c9: {  	v22 =	vld.idx.msk [tilespmem:v18+s11+$0x0], $0xffff;
	v5 =	vadd.f32 v6, v5;
	v6 =	vor.u32 v2, v11  }
0x1ca: {  	v8 =	vld.idx.msk [tilespmem:v8+s2+$0x0], $0xffff;
	v11 =	vor.u32 v58, v61  }
0x1cb: {  	v5 =	vadd.f32 v9, v5;
	v9 =	vld.idx.msk [tilespmem:v41+s11+$0x0], $0xffff  }
0x1cc: {  	v44 =	vor.u32 v59, v61;
	v10 =	vld.idx.msk [tilespmem:v10+s2+$0x0], $0xffff  }
0x1cd: {  	v5 =	vadd.f32 v7, v5;
	v7 =	vld.idx.msk [tilespmem:v43+s11+$0x0], $0xffff  }
0x1ce: {  	v47 =	vor.u32 v62, v61;
	v6 =	vld.idx.msk [tilespmem:v6+s2+$0x0], $0xffff  }
0x1cf: {  	v20 =	vor.u32 v24, v61;
	v5 =	vadd.f32 v8, v5;
	v8 =	vld.idx.msk [tilespmem:v11+s11+$0x0], $0xffff  }
0x1d0: {  	v12 =	vand.u32 $0x7F, v22;
	v30 =	vshll.u32 v22, $0x3;
	v11 =	vshll.u32 v9, $0x3  }
0x1d1: {  	v9 =	vand.u32 $0x7F, v9;
	v5 =	vadd.f32 v10, v5;
	v10 =	vand.u32 $0xFFFFFC00, v11;
	v11 =	vld.idx.msk [tilespmem:v44+s11+$0x0], $0xffff  }
0x1d2: {  	v10 =	vadd.s32 v3, v10;
	v19 =	vshll.u32 v7, $0x3;
	v7 =	vand.u32 $0x7F, v7  }
0x1d3: {  	v5 =	vadd.f32 v6, v5;
	v6 =	vor.u32 v9, v10;
	v9 =	vand.u32 $0xFFFFFC00, v19;
	v10 =	vld.idx.msk [tilespmem:v47+s11+$0x0], $0xffff  }
0x1d4: {  	v9 =	vadd.s32 v3, v9;
	v21 =	vshll.u32 v8, $0x3;
	v6 =	vor.u32 v2, v6  }
0x1d5: {  	v8 =	vand.u32 $0x7F, v8;
	v7 =	vor.u32 v7, v9;
	v9 =	vand.u32 $0xFFFFFC00, v21  }
0x1d6: {  	v28 =	vld.idx.msk [tilespmem:v20+s11+$0x0], $0xffff;
	v9 =	vadd.s32 v3, v9;
	v23 =	vshll.u32 v11, $0x3;
	v7 =	vor.u32 v2, v7  }
0x1d7: {  	v11 =	vand.u32 $0x7F, v11;
	v8 =	vor.u32 v8, v9;
	v9 =	vand.u32 $0xFFFFFC00, v23  }
0x1d8: {  	v9 =	vadd.s32 v3, v9;
	v29 =	vshll.u32 v10, $0x3;
	v8 =	vor.u32 v2, v8  }
0x1d9: {  	v40 =	vor.u32 v35, v61;
	v9 =	vor.u32 v11, v9;
	v11 =	vand.u32 $0xFFFFFC00, v29;
	v6 =	vld.idx.msk [tilespmem:v6+s2+$0x0], $0xffff  }
0x1da: {  	v10 =	vand.u32 $0x7F, v10;
	v11 =	vadd.s32 v3, v11;
	v9 =	vor.u32 v2, v9  }
0x1db: {  	v31 =	vshll.u32 v28, $0x3;
	v10 =	vor.u32 v10, v11;
	v11 =	vand.u32 $0xFFFFFC00, v30;
	v7 =	vld.idx.msk [tilespmem:v7+s2+$0x0], $0xffff  }
0x1dc: {  	v22 =	vld [tilespmem:$0x1FFA0];
	v39 =	vand.u32 $0xFFFFFC00, v31;
	v11 =	vadd.s32 v3, v11;
	v10 =	vor.u32 v2, v10  }
0x1dd: {  	v13 =	vand.u32 $0x7F, v28;
	v11 =	vor.u32 v12, v11;
	v8 =	vld.idx.msk [tilespmem:v8+s2+$0x0], $0xffff;
	v12 =	vadd.s32 v3, v39  }
0x1de: {  	v23 =	vld [tilespmem:$0x1FF90];
	v5 =	vadd.f32 v6, v5;
	v6 =	vor.u32 v2, v11;
	v11 =	vor.u32 v13, v12  }
0x1df: {  	v9 =	vld.idx.msk [tilespmem:v9+s2+$0x0], $0xffff;
	v11 =	vor.u32 v2, v11  }
0x1e0: {  	v47 =	vld [tilespmem:$0x1FFB0];
	v5 =	vadd.f32 v7, v5;
	v7 =	vor.u32 v34, v61  }
0x1e1: {  	v41 =	vor.u32 v33, v61;
	v10 =	vld.idx.msk [tilespmem:v10+s2+$0x0], $0xffff  }
0x1e2: {  	v5 =	vadd.f32 v8, v5;
	v8 =	vld.idx.msk [tilespmem:v40+s11+$0x0], $0xffff  }
0x1e3: {  	v6 =	vld.idx.msk [tilespmem:v6+s2+$0x0], $0xffff  }
0x1e4: {  	v5 =	vadd.f32 v9, v5;
	v9 =	vld.idx.msk [tilespmem:v11+s2+$0x0], $0xffff;
	v11 =	vor.u32 v23, v61  }
0x1e5: {  	v28 =	vor.u32 v22, v61;
	v7 =	vld.idx.msk [tilespmem:v7+s11+$0x0], $0xffff  }
0x1e6: {  	v5 =	vadd.f32 v10, v5;
	v10 =	vld.idx.msk [tilespmem:v41+s11+$0x0], $0xffff  }
0x1e7: {  	v29 =	vshll.u32 v8, $0x3  }
0x1e8: {  	v30 =	vor.u32 v47, v61;
	v5 =	vadd.f32 v6, v5;
	v6 =	vand.u32 $0xFFFFFC00, v29  }
0x1e9: {  	v8 =	vand.u32 $0x7F, v8;
	v6 =	vadd.s32 v3, v6;
	v11 =	vld.idx.msk [tilespmem:v11+s11+$0x0], $0xffff  }
0x1ea: {  	v5 =	vadd.f32 v9, v5;
	v6 =	vor.u32 v8, v6;
	v8 =	vshll.u32 v7, $0x3;
	v9 =	vld.idx.msk [tilespmem:v28+s11+$0x0], $0xffff  }
0x1eb: {  	v7 =	vand.u32 $0x7F, v7;
	v8 =	vand.u32 $0xFFFFFC00, v8;
	v31 =	vshll.u32 v10, $0x3  }
0x1ec: {  	v6 =	vor.u32 v2, v6;
	v8 =	vadd.s32 v3, v8;
	v13 =	vand.u32 $0xFFFFFC00, v31  }
0x1ed: {  	v12 =	vld.idx.msk [tilespmem:v30+s11+$0x0], $0xffff;
	v7 =	vor.u32 v7, v8;
	v8 =	vand.u32 $0x7F, v10;
	v10 =	vadd.s32 v3, v13  }
0x1ee: {  	v7 =	vor.u32 v2, v7;
	v8 =	vor.u32 v8, v10;
	v10 =	vshll.u32 v11, $0x3  }
0x1ef: {  	v44 =	vld [tilespmem:$0x1FFC0];
	v11 =	vand.u32 $0x7F, v11;
	v10 =	vand.u32 $0xFFFFFC00, v10;
	v39 =	vshll.u32 v9, $0x3  }
0x1f0: {  	v42 =	vld [tilespmem:$0x1FFE0];
	v8 =	vor.u32 v2, v8;
	v10 =	vadd.s32 v3, v10;
	v13 =	vand.u32 $0xFFFFFC00, v39  }
0x1f1: {  	v9 =	vand.u32 $0x7F, v9;
	v6 =	vld.idx.msk [tilespmem:v6+s2+$0x0], $0xffff;
	v10 =	vor.u32 v11, v10;
	v11 =	vadd.s32 v3, v13  }
0x1f2: {  	v43 =	vld [tilespmem:$0x1FFD0];
	v10 =	vor.u32 v2, v10;
	v9 =	vor.u32 v9, v11;
	v11 =	vshll.u32 v12, $0x3  }
0x1f3: {  	v4 =	vor.u32 v2, v4;
	v7 =	vld.idx.msk [tilespmem:v7+s2+$0x0], $0xffff;
	v9 =	vor.u32 v2, v9;
	v11 =	vand.u32 $0xFFFFFC00, v11  }
0x1f4: {  	v40 =	vor.u32 v44, v4;
	v12 =	vand.u32 $0x7F, v12;
	v11 =	vadd.s32 v3, v11  }
0x1f5: {  	v8 =	vld.idx.msk [tilespmem:v8+s2+$0x0], $0xffff;
	v11 =	vor.u32 v12, v11  }
0x1f6: {  	v21 =	vld [tilespmem:$0x1FFF0];
	v5 =	vadd.f32 v6, v5;
	v6 =	vor.u32 v2, v11  }
0x1f7: {  	v11 =	vor.u32 v43, v4;
	v10 =	vld.idx.msk [tilespmem:v10+s2+$0x0], $0xffff  }
0x1f8: {  	v5 =	vadd.f32 v7, v5;
	v7 =	vld.idx.msk [tilespmem:v9+s2+$0x0], $0xffff;
	v9 =	vor.u32 v42, v4  }
0x1f9: {  	v41 =	vld.idx.msk [tilespmem:v40+s11+$0x0], $0xffff;
	v42 =	vor.u32 $0x1C00, v4  }
0x1fa: {  	v13 =	vor.u32 v36, v42;
	v5 =	vadd.f32 v8, v5  }
0x1fb: {  	v8 =	vor.u32 v21, v4;
	v6 =	vld.idx.msk [tilespmem:v6+s2+$0x0], $0xffff  }
0x1fc: {  	v5 =	vadd.f32 v10, v5;
	v10 =	vld.idx.msk [tilespmem:v11+s11+$0x0], $0xffff;
	v11 =	vor.u32 v37, v4  }
0x1fd: {  	v9 =	vld.idx.msk [tilespmem:v9+s11+$0x0], $0xffff  }
0x1fe: {  	v5 =	vadd.f32 v7, v5;
	v7 =	vshll.u32 v41, $0x3  }
0x1ff: {  	v4 =	vor.u32 v38, v4;
	v44 =	vld.idx.msk [tilespmem:v13+s11+$0x0], $0xffff;
	v7 =	vand.u32 $0xFFFFFC00, v7  }
0x200: {  	v12 =	vand.u32 $0x7F, v41;
	v8 =	vld.idx.msk [tilespmem:v8+s11+$0x0], $0xffff;
	v7 =	vadd.s32 v3, v7;
	v5 =	vadd.f32 v6, v5  }
0x201: {  	v6 =	vor.u32 v12, v7;
	v7 =	vshll.u32 v10, $0x3;
	v11 =	vld.idx.msk [tilespmem:v11+s11+$0x0], $0xffff;
	v10 =	vand.u32 $0x7F, v10  }
0x202: {  	v6 =	vor.u32 v2, v6;
	v7 =	vand.u32 $0xFFFFFC00, v7;
	v43 =	vshll.u32 v9, $0x3  }
0x203: {  	v9 =	vand.u32 $0x7F, v9;
	v7 =	vadd.s32 v3, v7;
	v12 =	vand.u32 $0xFFFFFC00, v43  }
0x204: {  	v4 =	vld.idx.msk [tilespmem:v4+s11+$0x0], $0xffff;
	v61 =	vshll.u32 v44, $0x3;
	v7 =	vor.u32 v10, v7;
	v10 =	vadd.s32 v3, v12  }
0x205: {  	v7 =	vor.u32 v2, v7;
	v9 =	vor.u32 v9, v10;
	v10 =	vshll.u32 v8, $0x3  }
0x206: {  	v8 =	vand.u32 $0x7F, v8;
	v10 =	vand.u32 $0xFFFFFC00, v10;
	v47 =	vshll.u32 v11, $0x3  }
0x207: {  	v9 =	vor.u32 v2, v9;
	v10 =	vadd.s32 v3, v10;
	v13 =	vand.u32 $0xFFFFFC00, v47  }
0x208: {  	v6 =	vld.idx.msk [tilespmem:v6+s2+$0x0], $0xffff;
	v8 =	vor.u32 v8, v10;
	v10 =	vand.u32 $0x7F, v11;
	v11 =	vadd.s32 v3, v13  }
0x209: {  	v8 =	vor.u32 v2, v8;
	v10 =	vor.u32 v10, v11;
	v11 =	vshll.u32 v4, $0x3  }
0x20a: {  	v13 =	vand.u32 $0xFFFFFC00, v61;
	v7 =	vld.idx.msk [tilespmem:v7+s2+$0x0], $0xffff;
	v11 =	vand.u32 $0xFFFFFC00, v11  }
0x20b: {  	v4 =	vand.u32 $0x7F, v4;
	v10 =	vor.u32 v2, v10;
	v11 =	vadd.s32 v3, v11  }
0x20c: {  	v3 =	vadd.s32 v3, v13;
	v9 =	vld.idx.msk [tilespmem:v9+s2+$0x0], $0xffff;
	v4 =	vor.u32 v4, v11;
	v11 =	vand.u32 $0x7F, v44  }
0x20d: {  	v5 =	vadd.f32 v6, v5;
	v3 =	vor.u32 v11, v3;
	v4 =	vor.u32 v2, v4  }
0x20e: {  	v2 =	vor.u32 v2, v3;
	v3 =	vld.idx.msk [tilespmem:v8+s2+$0x0], $0xffff  }
0x20f: {  	v5 =	vadd.f32 v7, v5  }
0x210: {  	v6 =	vld.idx.msk [tilespmem:v10+s2+$0x0], $0xffff  }
0x211: {  	v5 =	vadd.f32 v9, v5  }
0x212: {  	v4 =	vld.idx.msk [tilespmem:v4+s2+$0x0], $0xffff  }
0x213: {  	v3 =	vadd.f32 v3, v5;
	v2 =	vld.idx.msk [tilespmem:v2+s2+$0x0], $0xffff;
	_ =	sdelay $0x1  }
0x214: {  	v3 =	vadd.f32 v6, v3;
	v6 =	vlaneseq.u32  }
0x215: {  	p0 =	sne.s32 s15, $0x1E;
	v5 =	vor.u32 v6, v60  }
.Ltmp0:
0x216: {  	v3 =	vadd.f32 v4, v3;
	(pc) =	sbr.rel @p0 .LBB2_2-.Ltmp0, $4  }
0x217: {  	v2 =	vnsel vm0, $0x0, v2  }
0x218: {  	v2 =	vadd.f32 v2, v3  }
0x219: {  	v11 =	vld [tilespmem:$0x1FF30]  }
0x21a: {  	s15 =	sadd.s32 $0x2, s15;
	v10 =	vld [tilespmem:$0x1FF20];
	[tilespmem:v5+s12+$0x0] =	vst.idx.msk $0xffff, v2  }
0x21b: {  	_ =	sdelay $0x3  }
0x21c: {  	v2 =	vld.idx.msk [tilespmem:v6+s9+$0x0], $0xffff;
	_ =	sdelay $0x2  }
0x21d: {  	v0 =	vld [tilespmem:$0x1FEF0];
	_ =	sdelay $0x1  }
0x21e: {  	v3 =	vshll.u32 v2, $0x3  }
0x21f: {  	v2 =	vand.u32 $0x7F, v2;
	v3 =	vand.u32 $0xFFFFFC00, v3  }
0x220: {  	v2 =	vor.u32 v2, v3  }
0x221: {  	v2 =	vadd.s32 v0, v2;
	_ =	sdelay $0x2  }
0x222: {  	v47 =	vld [tilespmem:$0x1FF10];
	_ =	sdelay $0x1  }
0x223: {  	v2 =	vld.idx.msk [tilespmem:v2+s2+$0x0], $0xffff;
	_ =	sdelay $0x4  }
0x224: {  	[tilespmem:v6+s13+$0x0] =	vst.idx.msk $0xffff, v2  }
0x225: {  	v2 =	vld.idx.msk [tilespmem:v47+s9+$0x0], $0xffff;
	_ =	sdelay $0x2  }
0x226: {  	v0 =	vld [tilespmem:$0x1FF00];
	_ =	sdelay $0x1  }
0x227: {  	v3 =	vshll.u32 v2, $0x3  }
0x228: {  	v2 =	vand.u32 $0x7F, v2;
	v3 =	vand.u32 $0xFFFFFC00, v3  }
0x229: {  	v2 =	vor.u32 v2, v3  }
0x22a: {  	v2 =	vadd.s32 v0, v2;
	_ =	sdelay $0x4  }
0x22b: {  	v2 =	vld.idx.msk [tilespmem:v2+s2+$0x0], $0xffff;
	_ =	sdelay $0x4  }
0x22c: {  	[tilespmem:v47+s13+$0x0] =	vst.idx.msk $0xffff, v2  }
0x22d: {  	[hbm4b:s6+s2] =	stream.linear.scatter [tilespmem:s12], [sflag:$0x1], $0x1000, $0x38;
	[tilespmem:$0x11100] =	vst v63  }
0x22e: {  	s14 =	sadd.s32 $0x1, s14;
	_ =	swait.ge [sflag:s10], $0x1000  }
0x22f: {  	p0 =	sne.s32 s14, s8;
	[sflag:s10] =	ssyncset.done $0x0  }
.Ltmp1:
0x230: {  	[sflag:s10] =	ssyncadd.s32 $0xFFFFF000;
	(pc) =	sbr.rel @p0 .LBB2_1-.Ltmp1, $4  }
0x231: {  	[hbm4b:s7+s2] =	stream.linear.scatter [tilespmem:s13], [sflag:$0x1], $0x20, $0x38;
	[tilespmem:$0x11100] =	vst v63  }
0x232: {  	_ =	swait.ge [sflag:s10], $0x20  }
0x233: {  	[sflag:s10] =	ssyncset.done $0x0  }
0x234: {  	[sflag:s10] =	ssyncadd.s32 $0xFFFFFFE0  }
0x235: {  	_ =	sfence.sel $0x180000  }
0x236: {  	[bflag:$0x0] =	sbarrier.arrive $0xFFFF  }
0x237: {  	p0 =	sne.s32 s0, $0x0;
	_ =	strace $0x90000047  }
0x238: {  	s0 =	sadd.s32 @!p0 $0x100000, s1;
	[bflag:$0x2] =	sbarrier.arrive $0xFFFF  }
0x239: {  	[sflag:s0] =	ssyncadd.tile.s32 @!p0 $0x1;
	_ =	shalt  }
.Lfunc_end2:
_tile_overlayer_lowered:
.L_overlay_start_2:
0x23a: {  	(tag) =	ssettag $0x2  }
0x23b: {  	s0 =	rddreg [dreg:$0x0];
	s2 =	stileid.u32  }
0x23c: {  	s1 =	rddreg [dreg:$0x1];
	p0 =	sne.s32 s2, $0x0  }
0x23d: {  	s3 =	rddreg [dreg:$0x2];
	[bflag:$0x3] =	sbarrier.arrive $0xFFFF;
	s2 =	simm.s32 @!p0 $0x1C01  }
0x23e: {  	[timem:s3], [sflag:s2] =	dma.local @!p0 [hbm:s0], s1  }
0x23f: {  	s0 =	simm.s32 @!p0 $0x1  }
0x240: {  	_ =	swait.ge @!p0 [sflag:s0], s1  }
0x241: {  	s1 =	ssub.s32 @!p0 $0x0, s1;
	[sflag:s0] =	ssyncset.done @!p0 $0x0  }
0x242: {  	[sflag:s0] =	ssyncadd.s32 @!p0 s1  }
0x243: {  	[bflag:$0x3] =	sbarrier.arrive $0xFFFF  }
0x244: {  	_ =	shalt  }

</sc_bundles>
